<compile_context>
chip_gen: v7x
topology: tpu7x:2x2x1
jax: 0.10.2.dev20260603
libtpu: 0.0.44.dev20260713+nightly
codegen_flags: <defaults>
</compile_context>

<pallas_src>
import functools

import jax
import jax.numpy as jnp
from jax import lax
from jax.experimental import pallas as pl
from jax.experimental.pallas import tpu as pltpu
from jax.experimental.pallas import tpu_sc as plsc

B = 4096
S = 200
D = 64
C = 7
VOCAB = 100000
NC, NS = 2, 16
NW = NC * NS
BPW = B // NW
IPW = BPW * S
C0 = 128
C1 = S - C0
NVR = D // 16
NBUF = 4
UNROLL = 8


def _sc_pool(table, idx_flat):
    mesh = plsc.VectorSubcoreMesh(
        core_axis_name="c", subcore_axis_name="s",
        num_cores=NC, num_subcores=NS)

    @functools.partial(
        pl.kernel,
        out_type=jax.ShapeDtypeStruct((B, D), jnp.float32),
        mesh=mesh,
        compiler_params=pltpu.CompilerParams(use_tc_tiling_on_sc=False),
        scratch_types=[
            pltpu.VMEM((IPW,), jnp.int32),
            pltpu.VMEM((NBUF, S, D), jnp.float32),
            pltpu.VMEM((BPW, D), jnp.float32),
            [pltpu.SemaphoreType.DMA] * NBUF,
        ],
    )
    def body(table_hbm, idx_hbm, out_hbm, idx_v, rows_v, stage_v, sems):
        wid = lax.axis_index("s") * NC + lax.axis_index("c")
        pltpu.sync_copy(idx_hbm.at[pl.ds(wid * IPW, IPW)], idx_v)

        def copies(br, buf):
            base = br * S
            c0 = pltpu.make_async_copy(
                table_hbm.at[idx_v.at[pl.ds(base, S)]],
                rows_v.at[buf],
                sems[buf])
            return (c0,)

        def fire(br, buf):
            for cp in copies(br, buf):
                cp.start()

        def drain(br, buf):
            for cp in copies(br, buf):
                cp.wait()

        for buf in range(NBUF):
            fire(buf, buf)

        def outer(i, carry):
            for buf in range(NBUF):
                br = NBUF * i + buf
                drain(br, buf)

                def inner(g, acc):
                    base = g * UNROLL
                    out = []
                    for k in range(NVR):
                        vs = [rows_v[buf, base + j, pl.ds(16 * k, 16)]
                              for j in range(UNROLL)]
                        s = (((vs[0] + vs[1]) + (vs[2] + vs[3]))
                             + ((vs[4] + vs[5]) + (vs[6] + vs[7])))
                        out.append(acc[k] + s)
                    return tuple(out)

                z = jnp.zeros((16,), jnp.float32)
                acc = lax.fori_loop(0, S // UNROLL, inner, (z,) * NVR)
                for k in range(NVR):
                    stage_v[br, pl.ds(16 * k, 16)] = acc[k] * (1.0 / S)

                @pl.when(br < BPW - NBUF)
                def _():
                    fire(br + NBUF, buf)
            return carry

        lax.fori_loop(0, BPW // NBUF, outer, 0)
        pltpu.sync_copy(stage_v, out_hbm.at[pl.ds(wid * BPW, BPW)])

    return body(table, idx_flat)


def _tc_detile(table_t):
    V = VOCAB
    BN = 12800
    grid = (V + BN - 1) // BN

    def body(t_ref, o_ref):
        x = t_ref[...]
        xt = jnp.swapaxes(x, 0, 1)
        xp = jnp.concatenate([xt, jnp.zeros_like(xt)], axis=1)
        m = xp.reshape(BN // 2, 256)
        o_ref[...] = jnp.concatenate([m[:, 0:D], m[:, 128:128 + D]], axis=1)

    return pl.pallas_call(
        body,
        grid=(grid,),
        in_specs=[pl.BlockSpec((D, BN), lambda i: (0, i))],
        out_specs=pl.BlockSpec((BN // 2, 2 * D), lambda i: (i, 0)),
        out_shape=jax.ShapeDtypeStruct((V // 2, 2 * D), jnp.float32),
    )(table_t)


def _tc_head(pooled, w, b2):
    def body(p_ref, w_ref, b_ref, o_ref):
        acc = jnp.dot(p_ref[...], w_ref[...],
                      preferred_element_type=jnp.float32)
        o_ref[...] = jnp.maximum(acc + b_ref[...], 0.0)

    return pl.pallas_call(
        body,
        out_shape=jax.ShapeDtypeStruct((B, C), jnp.float32),
    )(pooled, w, b2)


@jax.jit
def kernel(inputs, embedding_weights, W, b):
    idx_flat = inputs.reshape(-1)
    table_lin = _tc_detile(jnp.swapaxes(embedding_weights, 0, 1))
    pooled = _sc_pool(table_lin.reshape(VOCAB, D), idx_flat)
    return _tc_head(pooled, W, b.reshape(1, C))

# --- scband reference (transcript-rebuilt; emitter-appended) ---
"""Pipeline reference for scband-language-48636209660648 (READ-ONLY COPY).

The authoritative reference and input builder live on the scoring server;
editing this copy changes nothing except your own understanding.
"""

import jax, jax.numpy as jnp
import numpy as np

VOCAB = 100000
EMBED_DIM = 64
NUM_CLASSES = 7
BATCH = 4096
SEQ = 200

def setup_inputs(seed: int = 0) -> dict:
    key = jax.random.key(seed)
    k1, k2, k3, k4 = jax.random.split(key, 4)
    inputs = jax.random.randint(k1, (BATCH, SEQ), 0, VOCAB, dtype=jnp.int64 if jax.config.jax_enable_x64 else jnp.int32).astype(jnp.int32)
    embedding_weights = jax.random.normal(k2, (VOCAB, EMBED_DIM), dtype=jnp.float32)
    W = jax.random.normal(k3, (EMBED_DIM, NUM_CLASSES), dtype=jnp.float32) * (1.0 / np.sqrt(EMBED_DIM))
    b = jax.random.normal(k4, (NUM_CLASSES,), dtype=jnp.float32) * 0.01
    return {"inputs": inputs, "embedding_weights": embedding_weights, "W": W, "b": b}

def reference(inputs, embedding_weights, W, b):
    # Embedding lookup (gather)
    embeds = jnp.take(embedding_weights, inputs, axis=0)  # [B, S, D]
    # Mean pool over sequence dim
    pooled = jnp.mean(embeds, axis=1)  # [B, D]
    # Linear + ReLU
    out = pooled @ W + b  # [B, C]
    out = jax.nn.relu(out)
    return out

if __name__ == "__main__":
    import jax
    _d = setup_inputs()
    print(jax.jit(kernel)(*tuple(_d.values())))

</pallas_src>

<mosaic_0001>
#map = affine_map<(d0, d1) -> (0, 0)>
#map1 = affine_map<(d0, d1) -> (0)>
module attributes {stable_mosaic.version = 14 : i64} {
  func.func @body(%arg0: i32, %arg1: i32, %arg2: memref<100000x64xf32, #tpu.memory_space<hbm>>, %arg3: memref<819200xi32, #tpu.memory_space<hbm>>, %arg4: memref<4096x64xf32, #tpu.memory_space<hbm>>, %arg5: memref<25600xi32, #tpu.memory_space<vmem>>, %arg6: memref<4x200x64xf32, #tpu.memory_space<vmem>>, %arg7: memref<128x64xf32, #tpu.memory_space<vmem>>, %arg8: memref<!tpu.dma_semaphore, #tpu.memory_space<semaphore_mem>>, %arg9: memref<!tpu.dma_semaphore, #tpu.memory_space<semaphore_mem>>, %arg10: memref<!tpu.dma_semaphore, #tpu.memory_space<semaphore_mem>>, %arg11: memref<!tpu.dma_semaphore, #tpu.memory_space<semaphore_mem>>) attributes {dimension_semantics = [#tpu.dimension_semantics<core_parallel>, #tpu.dimension_semantics<subcore_parallel>], iteration_bounds = array<i64: 2, 16>, scalar_prefetch = 0 : i64, scratch_operands = 7 : i64, tpu.core_type = #tpu.core_type<sc_vector_subcore>, window_params = [{transform_indices = #map}, {transform_indices = #map1}, {transform_indices = #map}]} {
    %mul3A = arith.constant 2 : i32
    %mul3A_0 = arith.muli %arg1, %mul3A : i32
    %add3A = arith.addi %mul3A_0, %arg0 : i32
    %mul3A_1 = arith.constant 25600 : i32
    %mul3A_2 = arith.muli %add3A, %mul3A_1 : i32
    "tpu.region"() ({
      %run_scoped3A = tpu.sem_alloc : memref<!tpu.dma_semaphore, #tpu.memory_space<semaphore_mem>>
      %dma_start3A_49 = tpu.memref_slice %arg3[%mul3A_2] : memref<819200xi32, #tpu.memory_space<hbm>> -> memref<25600xi32, #tpu.memory_space<hbm>>
      %dma_start3A_50 = tpu.memref_slice %arg3[%mul3A_2] : memref<819200xi32, #tpu.memory_space<hbm>> -> memref<25600xi32, #tpu.memory_space<hbm>>
      tpu.enqueue_dma source(%dma_start3A_50 : memref<25600xi32, #tpu.memory_space<hbm>>) target(%arg5 : memref<25600xi32, #tpu.memory_space<vmem>>) target_semaphore(%run_scoped3A : memref<!tpu.dma_semaphore, #tpu.memory_space<semaphore_mem>>)
      %dma_wait3A = tpu.memref_slice %arg3[%mul3A_2] : memref<819200xi32, #tpu.memory_space<hbm>> -> memref<25600xi32, #tpu.memory_space<hbm>>
      %dma_wait3A_51 = tpu.memref_slice %arg3[%mul3A_2] : memref<819200xi32, #tpu.memory_space<hbm>> -> memref<25600xi32, #tpu.memory_space<hbm>>
      tpu.wait_dma2 semaphore(%run_scoped3A : memref<!tpu.dma_semaphore, #tpu.memory_space<semaphore_mem>>) src(%dma_wait3A_51 : memref<25600xi32, #tpu.memory_space<hbm>>) dst(%arg5 : memref<25600xi32, #tpu.memory_space<vmem>>)
      tpu.yield
    }) : () -> ()
    %dma_start3A = arith.constant 0 : i32
    %dma_start3A_3 = arith.constant 0 : i32
    %dma_start3A_4 = arith.constant 0 : i32
    %dma_start3A_5 = tpu.memref_slice %arg6[%dma_start3A, %dma_start3A_3, %dma_start3A_4] : memref<4x200x64xf32, #tpu.memory_space<vmem>> -> memref<1x200x64xf32, #tpu.memory_space<vmem>>
    %dma_start3A_6 = tpu.memref_squeeze %dma_start3A_5 : memref<1x200x64xf32, #tpu.memory_space<vmem>> -> memref<200x64xf32, #tpu.memory_space<vmem>>
    %dma_start3A_7 = arith.constant 0 : i32
    %dma_start3A_8 = tpu.memref_slice %arg5[%dma_start3A_7] : memref<25600xi32, #tpu.memory_space<vmem>> -> memref<200xi32, #tpu.memory_space<vmem>>
    %dma_start3A_9 = arith.constant 0 : i32
    %dma_start3A_10 = arith.constant 0 : i32
    %dma_start3A_11 = tpu.memref_slice %arg2[%dma_start3A_9, %dma_start3A_10] : memref<100000x64xf32, #tpu.memory_space<hbm>> -> memref<100000x64xf32, #tpu.memory_space<hbm>>
    tpu.enqueue_indirect_dma source(%dma_start3A_11 : memref<100000x64xf32, #tpu.memory_space<hbm>>) target(%dma_start3A_6 : memref<200x64xf32, #tpu.memory_space<vmem>>) offsets(%dma_start3A_8 : memref<200xi32, #tpu.memory_space<vmem>>) semaphore(%arg8 : memref<!tpu.dma_semaphore, #tpu.memory_space<semaphore_mem>>)
    %dma_start3A_12 = arith.constant 1 : i32
    %dma_start3A_13 = arith.constant 0 : i32
    %dma_start3A_14 = arith.constant 0 : i32
    %dma_start3A_15 = tpu.memref_slice %arg6[%dma_start3A_12, %dma_start3A_13, %dma_start3A_14] : memref<4x200x64xf32, #tpu.memory_space<vmem>> -> memref<1x200x64xf32, #tpu.memory_space<vmem>>
    %dma_start3A_16 = tpu.memref_squeeze %dma_start3A_15 : memref<1x200x64xf32, #tpu.memory_space<vmem>> -> memref<200x64xf32, #tpu.memory_space<vmem>>
    %dma_start3A_17 = arith.constant 200 : i32
    %dma_start3A_18 = tpu.memref_slice %arg5[%dma_start3A_17] : memref<25600xi32, #tpu.memory_space<vmem>> -> memref<200xi32, #tpu.memory_space<vmem>>
    %dma_start3A_19 = arith.constant 0 : i32
    %dma_start3A_20 = arith.constant 0 : i32
    %dma_start3A_21 = tpu.memref_slice %arg2[%dma_start3A_19, %dma_start3A_20] : memref<100000x64xf32, #tpu.memory_space<hbm>> -> memref<100000x64xf32, #tpu.memory_space<hbm>>
    tpu.enqueue_indirect_dma source(%dma_start3A_21 : memref<100000x64xf32, #tpu.memory_space<hbm>>) target(%dma_start3A_16 : memref<200x64xf32, #tpu.memory_space<vmem>>) offsets(%dma_start3A_18 : memref<200xi32, #tpu.memory_space<vmem>>) semaphore(%arg9 : memref<!tpu.dma_semaphore, #tpu.memory_space<semaphore_mem>>)
    %dma_start3A_22 = arith.constant 2 : i32
    %dma_start3A_23 = arith.constant 0 : i32
    %dma_start3A_24 = arith.constant 0 : i32
    %dma_start3A_25 = tpu.memref_slice %arg6[%dma_start3A_22, %dma_start3A_23, %dma_start3A_24] : memref<4x200x64xf32, #tpu.memory_space<vmem>> -> memref<1x200x64xf32, #tpu.memory_space<vmem>>
    %dma_start3A_26 = tpu.memref_squeeze %dma_start3A_25 : memref<1x200x64xf32, #tpu.memory_space<vmem>> -> memref<200x64xf32, #tpu.memory_space<vmem>>
    %dma_start3A_27 = arith.constant 400 : i32
    %dma_start3A_28 = tpu.memref_slice %arg5[%dma_start3A_27] : memref<25600xi32, #tpu.memory_space<vmem>> -> memref<200xi32, #tpu.memory_space<vmem>>
    %dma_start3A_29 = arith.constant 0 : i32
    %dma_start3A_30 = arith.constant 0 : i32
    %dma_start3A_31 = tpu.memref_slice %arg2[%dma_start3A_29, %dma_start3A_30] : memref<100000x64xf32, #tpu.memory_space<hbm>> -> memref<100000x64xf32, #tpu.memory_space<hbm>>
    tpu.enqueue_indirect_dma source(%dma_start3A_31 : memref<100000x64xf32, #tpu.memory_space<hbm>>) target(%dma_start3A_26 : memref<200x64xf32, #tpu.memory_space<vmem>>) offsets(%dma_start3A_28 : memref<200xi32, #tpu.memory_space<vmem>>) semaphore(%arg10 : memref<!tpu.dma_semaphore, #tpu.memory_space<semaphore_mem>>)
    %dma_start3A_32 = arith.constant 3 : i32
    %dma_start3A_33 = arith.constant 0 : i32
    %dma_start3A_34 = arith.constant 0 : i32
    %dma_start3A_35 = tpu.memref_slice %arg6[%dma_start3A_32, %dma_start3A_33, %dma_start3A_34] : memref<4x200x64xf32, #tpu.memory_space<vmem>> -> memref<1x200x64xf32, #tpu.memory_space<vmem>>
    %dma_start3A_36 = tpu.memref_squeeze %dma_start3A_35 : memref<1x200x64xf32, #tpu.memory_space<vmem>> -> memref<200x64xf32, #tpu.memory_space<vmem>>
    %dma_start3A_37 = arith.constant 600 : i32
    %dma_start3A_38 = tpu.memref_slice %arg5[%dma_start3A_37] : memref<25600xi32, #tpu.memory_space<vmem>> -> memref<200xi32, #tpu.memory_space<vmem>>
    %dma_start3A_39 = arith.constant 0 : i32
    %dma_start3A_40 = arith.constant 0 : i32
    %dma_start3A_41 = tpu.memref_slice %arg2[%dma_start3A_39, %dma_start3A_40] : memref<100000x64xf32, #tpu.memory_space<hbm>> -> memref<100000x64xf32, #tpu.memory_space<hbm>>
    tpu.enqueue_indirect_dma source(%dma_start3A_41 : memref<100000x64xf32, #tpu.memory_space<hbm>>) target(%dma_start3A_36 : memref<200x64xf32, #tpu.memory_space<vmem>>) offsets(%dma_start3A_38 : memref<200xi32, #tpu.memory_space<vmem>>) semaphore(%arg11 : memref<!tpu.dma_semaphore, #tpu.memory_space<semaphore_mem>>)
    %scan3A = arith.constant 0 : i32
    %scan3A_42 = arith.constant 0 : i32
    %scan3A_43 = arith.constant 32 : i32
    %scan3A_44 = arith.addi %scan3A_42, %scan3A_43 : i32
    %scan3A_45 = arith.constant 1 : i32
    scf.for %scan3A_49 = %scan3A_42 to %scan3A_44 step %scan3A_45  : i32 {
      %mul3A_50 = arith.constant 4 : i32
      %mul3A_51 = arith.muli %mul3A_50, %scan3A_49 : i32
      %add3A_52 = arith.constant 0 : i32
      %add3A_53 = arith.addi %mul3A_51, %add3A_52 : i32
      %mul3A_54 = arith.constant 200 : i32
      %mul3A_55 = arith.muli %add3A_53, %mul3A_54 : i32
      %dma_wait3A = arith.constant 0 : i32
      %dma_wait3A_56 = arith.constant 0 : i32
      %dma_wait3A_57 = arith.constant 0 : i32
      %dma_wait3A_58 = tpu.memref_slice %arg6[%dma_wait3A, %dma_wait3A_56, %dma_wait3A_57] : memref<4x200x64xf32, #tpu.memory_space<vmem>> -> memref<1x200x64xf32, #tpu.memory_space<vmem>>
      %dma_wait3A_59 = tpu.memref_squeeze %dma_wait3A_58 : memref<1x200x64xf32, #tpu.memory_space<vmem>> -> memref<200x64xf32, #tpu.memory_space<vmem>>
      %dma_wait3A_60 = tpu.memref_slice %arg5[%mul3A_55] : memref<25600xi32, #tpu.memory_space<vmem>> -> memref<200xi32, #tpu.memory_space<vmem>>
      %dma_wait3A_61 = arith.constant 0 : i32
      %dma_wait3A_62 = arith.constant 0 : i32
      %dma_wait3A_63 = tpu.memref_slice %arg2[%dma_wait3A_61, %dma_wait3A_62] : memref<100000x64xf32, #tpu.memory_space<hbm>> -> memref<100000x64xf32, #tpu.memory_space<hbm>>
      tpu.wait_indirect_dma semaphore(%arg8 : memref<!tpu.dma_semaphore, #tpu.memory_space<semaphore_mem>>) src(%dma_wait3A_63 : memref<100000x64xf32, #tpu.memory_space<hbm>>) dst(%dma_wait3A_59 : memref<200x64xf32, #tpu.memory_space<vmem>>)
      %broadcast_in_dim3A = arith.constant 0.000000e+00 : f32
      %broadcast_in_dim3A_64 = vector.broadcast %broadcast_in_dim3A : f32 to vector<16xf32>
      %scan3A_65 = arith.constant 0 : i32
      %scan3A_66 = arith.constant 25 : i32
      %scan3A_67 = arith.addi %scan3A_65, %scan3A_66 : i32
      %scan3A_68 = arith.constant 1 : i32
      %scan3A_69:4 = scf.for %scan3A_284 = %scan3A_65 to %scan3A_67 step %scan3A_68 iter_args(%scan3A_285 = %broadcast_in_dim3A_64, %scan3A_286 = %broadcast_in_dim3A_64, %scan3A_287 = %broadcast_in_dim3A_64, %scan3A_288 = %broadcast_in_dim3A_64) -> (vector<16xf32>, vector<16xf32>, vector<16xf32>, vector<16xf32>)  : i32 {
        %mul3A_289 = arith.constant 8 : i32
        %mul3A_290 = arith.muli %scan3A_284, %mul3A_289 : i32
        %add3A_291 = arith.constant 0 : i32
        %add3A_292 = arith.addi %mul3A_290, %add3A_291 : i32
        %get3A = arith.constant 0 : i32
        %get3A_293 = arith.index_cast %get3A : i32 to index
        %get3A_294 = arith.index_cast %add3A_292 : i32 to index
        %get3A_295 = arith.constant 0 : index
        %get3A_296 = tpu.vector_load %arg6[%get3A_293, %get3A_294, %get3A_295] {strides = array<i32>} : memref<4x200x64xf32, #tpu.memory_space<vmem>>, vector<1x1x16xf32>,
        %get3A_297 = vector.shape_cast %get3A_296 : vector<1x1x16xf32> to vector<16xf32>
        %add3A_298 = arith.constant 1 : i32
        %add3A_299 = arith.addi %mul3A_290, %add3A_298 : i32
        %get3A_300 = arith.constant 0 : i32
        %get3A_301 = arith.index_cast %get3A_300 : i32 to index
        %get3A_302 = arith.index_cast %add3A_299 : i32 to index
        %get3A_303 = arith.constant 0 : index
        %get3A_304 = tpu.vector_load %arg6[%get3A_301, %get3A_302, %get3A_303] {strides = array<i32>} : memref<4x200x64xf32, #tpu.memory_space<vmem>>, vector<1x1x16xf32>,
        %get3A_305 = vector.shape_cast %get3A_304 : vector<1x1x16xf32> to vector<16xf32>
        %add3A_306 = arith.constant 2 : i32
        %add3A_307 = arith.addi %mul3A_290, %add3A_306 : i32
        %get3A_308 = arith.constant 0 : i32
        %get3A_309 = arith.index_cast %get3A_308 : i32 to index
        %get3A_310 = arith.index_cast %add3A_307 : i32 to index
        %get3A_311 = arith.constant 0 : index
        %get3A_312 = tpu.vector_load %arg6[%get3A_309, %get3A_310, %get3A_311] {strides = array<i32>} : memref<4x200x64xf32, #tpu.memory_space<vmem>>, vector<1x1x16xf32>,
        %get3A_313 = vector.shape_cast %get3A_312 : vector<1x1x16xf32> to vector<16xf32>
        %add3A_314 = arith.constant 3 : i32
        %add3A_315 = arith.addi %mul3A_290, %add3A_314 : i32
        %get3A_316 = arith.constant 0 : i32
        %get3A_317 = arith.index_cast %get3A_316 : i32 to index
        %get3A_318 = arith.index_cast %add3A_315 : i32 to index
        %get3A_319 = arith.constant 0 : index
        %get3A_320 = tpu.vector_load %arg6[%get3A_317, %get3A_318, %get3A_319] {strides = array<i32>} : memref<4x200x64xf32, #tpu.memory_space<vmem>>, vector<1x1x16xf32>,
        %get3A_321 = vector.shape_cast %get3A_320 : vector<1x1x16xf32> to vector<16xf32>
        %add3A_322 = arith.constant 4 : i32
        %add3A_323 = arith.addi %mul3A_290, %add3A_322 : i32
        %get3A_324 = arith.constant 0 : i32
        %get3A_325 = arith.index_cast %get3A_324 : i32 to index
        %get3A_326 = arith.index_cast %add3A_323 : i32 to index
        %get3A_327 = arith.constant 0 : index
        %get3A_328 = tpu.vector_load %arg6[%get3A_325, %get3A_326, %get3A_327] {strides = array<i32>} : memref<4x200x64xf32, #tpu.memory_space<vmem>>, vector<1x1x16xf32>,
        %get3A_329 = vector.shape_cast %get3A_328 : vector<1x1x16xf32> to vector<16xf32>
        %add3A_330 = arith.constant 5 : i32
        %add3A_331 = arith.addi %mul3A_290, %add3A_330 : i32
        %get3A_332 = arith.constant 0 : i32
        %get3A_333 = arith.index_cast %get3A_332 : i32 to index
        %get3A_334 = arith.index_cast %add3A_331 : i32 to index
        %get3A_335 = arith.constant 0 : index
        %get3A_336 = tpu.vector_load %arg6[%get3A_333, %get3A_334, %get3A_335] {strides = array<i32>} : memref<4x200x64xf32, #tpu.memory_space<vmem>>, vector<1x1x16xf32>,
        %get3A_337 = vector.shape_cast %get3A_336 : vector<1x1x16xf32> to vector<16xf32>
        %add3A_338 = arith.constant 6 : i32
        %add3A_339 = arith.addi %mul3A_290, %add3A_338 : i32
        %get3A_340 = arith.constant 0 : i32
        %get3A_341 = arith.index_cast %get3A_340 : i32 to index
        %get3A_342 = arith.index_cast %add3A_339 : i32 to index
        %get3A_343 = arith.constant 0 : index
        %get3A_344 = tpu.vector_load %arg6[%get3A_341, %get3A_342, %get3A_343] {strides = array<i32>} : memref<4x200x64xf32, #tpu.memory_space<vmem>>, vector<1x1x16xf32>,
        %get3A_345 = vector.shape_cast %get3A_344 : vector<1x1x16xf32> to vector<16xf32>
        %add3A_346 = arith.constant 7 : i32
        %add3A_347 = arith.addi %mul3A_290, %add3A_346 : i32
        %get3A_348 = arith.constant 0 : i32
        %get3A_349 = arith.index_cast %get3A_348 : i32 to index
        %get3A_350 = arith.index_cast %add3A_347 : i32 to index
        %get3A_351 = arith.constant 0 : index
        %get3A_352 = tpu.vector_load %arg6[%get3A_349, %get3A_350, %get3A_351] {strides = array<i32>} : memref<4x200x64xf32, #tpu.memory_space<vmem>>, vector<1x1x16xf32>,
        %get3A_353 = vector.shape_cast %get3A_352 : vector<1x1x16xf32> to vector<16xf32>
        %add3A_354 = arith.addf %get3A_297, %get3A_305 : vector<16xf32>
        %add3A_355 = arith.addf %get3A_313, %get3A_321 : vector<16xf32>
        %add3A_356 = arith.addf %add3A_354, %add3A_355 : vector<16xf32>
        %add3A_357 = arith.addf %get3A_329, %get3A_337 : vector<16xf32>
        %add3A_358 = arith.addf %get3A_345, %get3A_353 : vector<16xf32>
        %add3A_359 = arith.addf %add3A_357, %add3A_358 : vector<16xf32>
        %add3A_360 = arith.addf %add3A_356, %add3A_359 : vector<16xf32>
        %add3A_361 = arith.addf %scan3A_285, %add3A_360 : vector<16xf32>
        %add3A_362 = arith.constant 0 : i32
        %add3A_363 = arith.addi %mul3A_290, %add3A_362 : i32
        %get3A_364 = arith.constant 0 : i32
        %get3A_365 = arith.index_cast %get3A_364 : i32 to index
        %get3A_366 = arith.index_cast %add3A_363 : i32 to index
        %get3A_367 = arith.constant 16 : index
        %get3A_368 = tpu.vector_load %arg6[%get3A_365, %get3A_366, %get3A_367] {strides = array<i32>} : memref<4x200x64xf32, #tpu.memory_space<vmem>>, vector<1x1x16xf32>,
        %get3A_369 = vector.shape_cast %get3A_368 : vector<1x1x16xf32> to vector<16xf32>
        %add3A_370 = arith.constant 1 : i32
        %add3A_371 = arith.addi %mul3A_290, %add3A_370 : i32
        %get3A_372 = arith.constant 0 : i32
        %get3A_373 = arith.index_cast %get3A_372 : i32 to index
        %get3A_374 = arith.index_cast %add3A_371 : i32 to index
        %get3A_375 = arith.constant 16 : index
        %get3A_376 = tpu.vector_load %arg6[%get3A_373, %get3A_374, %get3A_375] {strides = array<i32>} : memref<4x200x64xf32, #tpu.memory_space<vmem>>, vector<1x1x16xf32>,
        %get3A_377 = vector.shape_cast %get3A_376 : vector<1x1x16xf32> to vector<16xf32>
        %add3A_378 = arith.constant 2 : i32
        %add3A_379 = arith.addi %mul3A_290, %add3A_378 : i32
        %get3A_380 = arith.constant 0 : i32
        %get3A_381 = arith.index_cast %get3A_380 : i32 to index
        %get3A_382 = arith.index_cast %add3A_379 : i32 to index
        %get3A_383 = arith.constant 16 : index
        %get3A_384 = tpu.vector_load %arg6[%get3A_381, %get3A_382, %get3A_383] {strides = array<i32>} : memref<4x200x64xf32, #tpu.memory_space<vmem>>, vector<1x1x16xf32>,
        %get3A_385 = vector.shape_cast %get3A_384 : vector<1x1x16xf32> to vector<16xf32>
        %add3A_386 = arith.constant 3 : i32
        %add3A_387 = arith.addi %mul3A_290, %add3A_386 : i32
        %get3A_388 = arith.constant 0 : i32
        %get3A_389 = arith.index_cast %get3A_388 : i32 to index
        %get3A_390 = arith.index_cast %add3A_387 : i32 to index
        %get3A_391 = arith.constant 16 : index
        %get3A_392 = tpu.vector_load %arg6[%get3A_389, %get3A_390, %get3A_391] {strides = array<i32>} : memref<4x200x64xf32, #tpu.memory_space<vmem>>, vector<1x1x16xf32>,
        %get3A_393 = vector.shape_cast %get3A_392 : vector<1x1x16xf32> to vector<16xf32>
        %add3A_394 = arith.constant 4 : i32
        %add3A_395 = arith.addi %mul3A_290, %add3A_394 : i32
        %get3A_396 = arith.constant 0 : i32
        %get3A_397 = arith.index_cast %get3A_396 : i32 to index
        %get3A_398 = arith.index_cast %add3A_395 : i32 to index
        %get3A_399 = arith.constant 16 : index
        %get3A_400 = tpu.vector_load %arg6[%get3A_397, %get3A_398, %get3A_399] {strides = array<i32>} : memref<4x200x64xf32, #tpu.memory_space<vmem>>, vector<1x1x16xf32>,
        %get3A_401 = vector.shape_cast %get3A_400 : vector<1x1x16xf32> to vector<16xf32>
        %add3A_402 = arith.constant 5 : i32
        %add3A_403 = arith.addi %mul3A_290, %add3A_402 : i32
        %get3A_404 = arith.constant 0 : i32
        %get3A_405 = arith.index_cast %get3A_404 : i32 to index
        %get3A_406 = arith.index_cast %add3A_403 : i32 to index
        %get3A_407 = arith.constant 16 : index
        %get3A_408 = tpu.vector_load %arg6[%get3A_405, %get3A_406, %get3A_407] {strides = array<i32>} : memref<4x200x64xf32, #tpu.memory_space<vmem>>, vector<1x1x16xf32>,
        %get3A_409 = vector.shape_cast %get3A_408 : vector<1x1x16xf32> to vector<16xf32>
        %add3A_410 = arith.constant 6 : i32
        %add3A_411 = arith.addi %mul3A_290, %add3A_410 : i32
        %get3A_412 = arith.constant 0 : i32
        %get3A_413 = arith.index_cast %get3A_412 : i32 to index
        %get3A_414 = arith.index_cast %add3A_411 : i32 to index
        %get3A_415 = arith.constant 16 : index
        %get3A_416 = tpu.vector_load %arg6[%get3A_413, %get3A_414, %get3A_415] {strides = array<i32>} : memref<4x200x64xf32, #tpu.memory_space<vmem>>, vector<1x1x16xf32>,
        %get3A_417 = vector.shape_cast %get3A_416 : vector<1x1x16xf32> to vector<16xf32>
        %add3A_418 = arith.constant 7 : i32
        %add3A_419 = arith.addi %mul3A_290, %add3A_418 : i32
        %get3A_420 = arith.constant 0 : i32
        %get3A_421 = arith.index_cast %get3A_420 : i32 to index
        %get3A_422 = arith.index_cast %add3A_419 : i32 to index
        %get3A_423 = arith.constant 16 : index
        %get3A_424 = tpu.vector_load %arg6[%get3A_421, %get3A_422, %get3A_423] {strides = array<i32>} : memref<4x200x64xf32, #tpu.memory_space<vmem>>, vector<1x1x16xf32>,
        %get3A_425 = vector.shape_cast %get3A_424 : vector<1x1x16xf32> to vector<16xf32>
        %add3A_426 = arith.addf %get3A_369, %get3A_377 : vector<16xf32>
        %add3A_427 = arith.addf %get3A_385, %get3A_393 : vector<16xf32>
        %add3A_428 = arith.addf %add3A_426, %add3A_427 : vector<16xf32>
        %add3A_429 = arith.addf %get3A_401, %get3A_409 : vector<16xf32>
        %add3A_430 = arith.addf %get3A_417, %get3A_425 : vector<16xf32>
        %add3A_431 = arith.addf %add3A_429, %add3A_430 : vector<16xf32>
        %add3A_432 = arith.addf %add3A_428, %add3A_431 : vector<16xf32>
        %add3A_433 = arith.addf %scan3A_286, %add3A_432 : vector<16xf32>
        %add3A_434 = arith.constant 0 : i32
        %add3A_435 = arith.addi %mul3A_290, %add3A_434 : i32
        %get3A_436 = arith.constant 0 : i32
        %get3A_437 = arith.index_cast %get3A_436 : i32 to index
        %get3A_438 = arith.index_cast %add3A_435 : i32 to index
        %get3A_439 = arith.constant 32 : index
        %get3A_440 = tpu.vector_load %arg6[%get3A_437, %get3A_438, %get3A_439] {strides = array<i32>} : memref<4x200x64xf32, #tpu.memory_space<vmem>>, vector<1x1x16xf32>,
        %get3A_441 = vector.shape_cast %get3A_440 : vector<1x1x16xf32> to vector<16xf32>
        %add3A_442 = arith.constant 1 : i32
        %add3A_443 = arith.addi %mul3A_290, %add3A_442 : i32
        %get3A_444 = arith.constant 0 : i32
        %get3A_445 = arith.index_cast %get3A_444 : i32 to index
        %get3A_446 = arith.index_cast %add3A_443 : i32 to index
        %get3A_447 = arith.constant 32 : index
        %get3A_448 = tpu.vector_load %arg6[%get3A_445, %get3A_446, %get3A_447] {strides = array<i32>} : memref<4x200x64xf32, #tpu.memory_space<vmem>>, vector<1x1x16xf32>,
        %get3A_449 = vector.shape_cast %get3A_448 : vector<1x1x16xf32> to vector<16xf32>
        %add3A_450 = arith.constant 2 : i32
        %add3A_451 = arith.addi %mul3A_290, %add3A_450 : i32
        %get3A_452 = arith.constant 0 : i32
        %get3A_453 = arith.index_cast %get3A_452 : i32 to index
        %get3A_454 = arith.index_cast %add3A_451 : i32 to index
        %get3A_455 = arith.constant 32 : index
        %get3A_456 = tpu.vector_load %arg6[%get3A_453, %get3A_454, %get3A_455] {strides = array<i32>} : memref<4x200x64xf32, #tpu.memory_space<vmem>>, vector<1x1x16xf32>,
        %get3A_457 = vector.shape_cast %get3A_456 : vector<1x1x16xf32> to vector<16xf32>
        %add3A_458 = arith.constant 3 : i32
        %add3A_459 = arith.addi %mul3A_290, %add3A_458 : i32
        %get3A_460 = arith.constant 0 : i32
        %get3A_461 = arith.index_cast %get3A_460 : i32 to index
        %get3A_462 = arith.index_cast %add3A_459 : i32 to index
        %get3A_463 = arith.constant 32 : index
        %get3A_464 = tpu.vector_load %arg6[%get3A_461, %get3A_462, %get3A_463] {strides = array<i32>} : memref<4x200x64xf32, #tpu.memory_space<vmem>>, vector<1x1x16xf32>,
        %get3A_465 = vector.shape_cast %get3A_464 : vector<1x1x16xf32> to vector<16xf32>
        %add3A_466 = arith.constant 4 : i32
        %add3A_467 = arith.addi %mul3A_290, %add3A_466 : i32
        %get3A_468 = arith.constant 0 : i32
        %get3A_469 = arith.index_cast %get3A_468 : i32 to index
        %get3A_470 = arith.index_cast %add3A_467 : i32 to index
        %get3A_471 = arith.constant 32 : index
        %get3A_472 = tpu.vector_load %arg6[%get3A_469, %get3A_470, %get3A_471] {strides = array<i32>} : memref<4x200x64xf32, #tpu.memory_space<vmem>>, vector<1x1x16xf32>,
        %get3A_473 = vector.shape_cast %get3A_472 : vector<1x1x16xf32> to vector<16xf32>
        %add3A_474 = arith.constant 5 : i32
        %add3A_475 = arith.addi %mul3A_290, %add3A_474 : i32
        %get3A_476 = arith.constant 0 : i32
        %get3A_477 = arith.index_cast %get3A_476 : i32 to index
        %get3A_478 = arith.index_cast %add3A_475 : i32 to index
        %get3A_479 = arith.constant 32 : index
        %get3A_480 = tpu.vector_load %arg6[%get3A_477, %get3A_478, %get3A_479] {strides = array<i32>} : memref<4x200x64xf32, #tpu.memory_space<vmem>>, vector<1x1x16xf32>,
        %get3A_481 = vector.shape_cast %get3A_480 : vector<1x1x16xf32> to vector<16xf32>
        %add3A_482 = arith.constant 6 : i32
        %add3A_483 = arith.addi %mul3A_290, %add3A_482 : i32
        %get3A_484 = arith.constant 0 : i32
        %get3A_485 = arith.index_cast %get3A_484 : i32 to index
        %get3A_486 = arith.index_cast %add3A_483 : i32 to index
        %get3A_487 = arith.constant 32 : index
        %get3A_488 = tpu.vector_load %arg6[%get3A_485, %get3A_486, %get3A_487] {strides = array<i32>} : memref<4x200x64xf32, #tpu.memory_space<vmem>>, vector<1x1x16xf32>,
        %get3A_489 = vector.shape_cast %get3A_488 : vector<1x1x16xf32> to vector<16xf32>
        %add3A_490 = arith.constant 7 : i32
        %add3A_491 = arith.addi %mul3A_290, %add3A_490 : i32
        %get3A_492 = arith.constant 0 : i32
        %get3A_493 = arith.index_cast %get3A_492 : i32 to index
        %get3A_494 = arith.index_cast %add3A_491 : i32 to index
        %get3A_495 = arith.constant 32 : index
        %get3A_496 = tpu.vector_load %arg6[%get3A_493, %get3A_494, %get3A_495] {strides = array<i32>} : memref<4x200x64xf32, #tpu.memory_space<vmem>>, vector<1x1x16xf32>,
        %get3A_497 = vector.shape_cast %get3A_496 : vector<1x1x16xf32> to vector<16xf32>
        %add3A_498 = arith.addf %get3A_441, %get3A_449 : vector<16xf32>
        %add3A_499 = arith.addf %get3A_457, %get3A_465 : vector<16xf32>
        %add3A_500 = arith.addf %add3A_498, %add3A_499 : vector<16xf32>
        %add3A_501 = arith.addf %get3A_473, %get3A_481 : vector<16xf32>
        %add3A_502 = arith.addf %get3A_489, %get3A_497 : vector<16xf32>
        %add3A_503 = arith.addf %add3A_501, %add3A_502 : vector<16xf32>
        %add3A_504 = arith.addf %add3A_500, %add3A_503 : vector<16xf32>
        %add3A_505 = arith.addf %scan3A_287, %add3A_504 : vector<16xf32>
        %add3A_506 = arith.constant 0 : i32
        %add3A_507 = arith.addi %mul3A_290, %add3A_506 : i32
        %get3A_508 = arith.constant 0 : i32
        %get3A_509 = arith.index_cast %get3A_508 : i32 to index
        %get3A_510 = arith.index_cast %add3A_507 : i32 to index
        %get3A_511 = arith.constant 48 : index
        %get3A_512 = tpu.vector_load %arg6[%get3A_509, %get3A_510, %get3A_511] {strides = array<i32>} : memref<4x200x64xf32, #tpu.memory_space<vmem>>, vector<1x1x16xf32>,
        %get3A_513 = vector.shape_cast %get3A_512 : vector<1x1x16xf32> to vector<16xf32>
        %add3A_514 = arith.constant 1 : i32
        %add3A_515 = arith.addi %mul3A_290, %add3A_514 : i32
        %get3A_516 = arith.constant 0 : i32
        %get3A_517 = arith.index_cast %get3A_516 : i32 to index
        %get3A_518 = arith.index_cast %add3A_515 : i32 to index
        %get3A_519 = arith.constant 48 : index
        %get3A_520 = tpu.vector_load %arg6[%get3A_517, %get3A_518, %get3A_519] {strides = array<i32>} : memref<4x200x64xf32, #tpu.memory_space<vmem>>, vector<1x1x16xf32>,
        %get3A_521 = vector.shape_cast %get3A_520 : vector<1x1x16xf32> to vector<16xf32>
        %add3A_522 = arith.constant 2 : i32
        %add3A_523 = arith.addi %mul3A_290, %add3A_522 : i32
        %get3A_524 = arith.constant 0 : i32
        %get3A_525 = arith.index_cast %get3A_524 : i32 to index
        %get3A_526 = arith.index_cast %add3A_523 : i32 to index
        %get3A_527 = arith.constant 48 : index
        %get3A_528 = tpu.vector_load %arg6[%get3A_525, %get3A_526, %get3A_527] {strides = array<i32>} : memref<4x200x64xf32, #tpu.memory_space<vmem>>, vector<1x1x16xf32>,
        %get3A_529 = vector.shape_cast %get3A_528 : vector<1x1x16xf32> to vector<16xf32>
        %add3A_530 = arith.constant 3 : i32
        %add3A_531 = arith.addi %mul3A_290, %add3A_530 : i32
        %get3A_532 = arith.constant 0 : i32
        %get3A_533 = arith.index_cast %get3A_532 : i32 to index
        %get3A_534 = arith.index_cast %add3A_531 : i32 to index
        %get3A_535 = arith.constant 48 : index
        %get3A_536 = tpu.vector_load %arg6[%get3A_533, %get3A_534, %get3A_535] {strides = array<i32>} : memref<4x200x64xf32, #tpu.memory_space<vmem>>, vector<1x1x16xf32>,
        %get3A_537 = vector.shape_cast %get3A_536 : vector<1x1x16xf32> to vector<16xf32>
        %add3A_538 = arith.constant 4 : i32
        %add3A_539 = arith.addi %mul3A_290, %add3A_538 : i32
        %get3A_540 = arith.constant 0 : i32
        %get3A_541 = arith.index_cast %get3A_540 : i32 to index
        %get3A_542 = arith.index_cast %add3A_539 : i32 to index
        %get3A_543 = arith.constant 48 : index
        %get3A_544 = tpu.vector_load %arg6[%get3A_541, %get3A_542, %get3A_543] {strides = array<i32>} : memref<4x200x64xf32, #tpu.memory_space<vmem>>, vector<1x1x16xf32>,
        %get3A_545 = vector.shape_cast %get3A_544 : vector<1x1x16xf32> to vector<16xf32>
        %add3A_546 = arith.constant 5 : i32
        %add3A_547 = arith.addi %mul3A_290, %add3A_546 : i32
        %get3A_548 = arith.constant 0 : i32
        %get3A_549 = arith.index_cast %get3A_548 : i32 to index
        %get3A_550 = arith.index_cast %add3A_547 : i32 to index
        %get3A_551 = arith.constant 48 : index
        %get3A_552 = tpu.vector_load %arg6[%get3A_549, %get3A_550, %get3A_551] {strides = array<i32>} : memref<4x200x64xf32, #tpu.memory_space<vmem>>, vector<1x1x16xf32>,
        %get3A_553 = vector.shape_cast %get3A_552 : vector<1x1x16xf32> to vector<16xf32>
        %add3A_554 = arith.constant 6 : i32
        %add3A_555 = arith.addi %mul3A_290, %add3A_554 : i32
        %get3A_556 = arith.constant 0 : i32
        %get3A_557 = arith.index_cast %get3A_556 : i32 to index
        %get3A_558 = arith.index_cast %add3A_555 : i32 to index
        %get3A_559 = arith.constant 48 : index
        %get3A_560 = tpu.vector_load %arg6[%get3A_557, %get3A_558, %get3A_559] {strides = array<i32>} : memref<4x200x64xf32, #tpu.memory_space<vmem>>, vector<1x1x16xf32>,
        %get3A_561 = vector.shape_cast %get3A_560 : vector<1x1x16xf32> to vector<16xf32>
        %add3A_562 = arith.constant 7 : i32
        %add3A_563 = arith.addi %mul3A_290, %add3A_562 : i32
        %get3A_564 = arith.constant 0 : i32
        %get3A_565 = arith.index_cast %get3A_564 : i32 to index
        %get3A_566 = arith.index_cast %add3A_563 : i32 to index
        %get3A_567 = arith.constant 48 : index
        %get3A_568 = tpu.vector_load %arg6[%get3A_565, %get3A_566, %get3A_567] {strides = array<i32>} : memref<4x200x64xf32, #tpu.memory_space<vmem>>, vector<1x1x16xf32>,
        %get3A_569 = vector.shape_cast %get3A_568 : vector<1x1x16xf32> to vector<16xf32>
        %add3A_570 = arith.addf %get3A_513, %get3A_521 : vector<16xf32>
        %add3A_571 = arith.addf %get3A_529, %get3A_537 : vector<16xf32>
        %add3A_572 = arith.addf %add3A_570, %add3A_571 : vector<16xf32>
        %add3A_573 = arith.addf %get3A_545, %get3A_553 : vector<16xf32>
        %add3A_574 = arith.addf %get3A_561, %get3A_569 : vector<16xf32>
        %add3A_575 = arith.addf %add3A_573, %add3A_574 : vector<16xf32>
        %add3A_576 = arith.addf %add3A_572, %add3A_575 : vector<16xf32>
        %add3A_577 = arith.addf %scan3A_288, %add3A_576 : vector<16xf32>
        scf.yield %add3A_361, %add3A_433, %add3A_505, %add3A_577 : vector<16xf32>, vector<16xf32>, vector<16xf32>, vector<16xf32>
      }
      %scan3A_70 = arith.constant 25 : i32
      %mul3A_71 = arith.constant 5.000000e-03 : f32
      %mul3A_72 = vector.broadcast %mul3A_71 : f32 to vector<16xf32>
      %mul3A_73 = arith.mulf %scan3A_69#0, %mul3A_72 : vector<16xf32>
      %swap3A = arith.index_cast %add3A_53 : i32 to index
      %swap3A_74 = arith.constant 0 : index
      %swap3A_75 = tpu.vector_load %arg7[%swap3A, %swap3A_74] {strides = array<i32>} : memref<128x64xf32, #tpu.memory_space<vmem>>, vector<1x16xf32>,
      %swap3A_76 = vector.shape_cast %swap3A_75 : vector<1x16xf32> to vector<16xf32>
      %swap3A_77 = vector.shape_cast %mul3A_73 : vector<16xf32> to vector<1x16xf32>
      tpu.vector_store %arg7[%swap3A, %swap3A_74], %swap3A_77 {strides = array<i32>} : memref<128x64xf32, #tpu.memory_space<vmem>>, vector<1x16xf32>,
      %mul3A_78 = arith.constant 5.000000e-03 : f32
      %mul3A_79 = vector.broadcast %mul3A_78 : f32 to vector<16xf32>
      %mul3A_80 = arith.mulf %scan3A_69#1, %mul3A_79 : vector<16xf32>
      %swap3A_81 = arith.index_cast %add3A_53 : i32 to index
      %swap3A_82 = arith.constant 16 : index
      %swap3A_83 = tpu.vector_load %arg7[%swap3A_81, %swap3A_82] {strides = array<i32>} : memref<128x64xf32, #tpu.memory_space<vmem>>, vector<1x16xf32>,
      %swap3A_84 = vector.shape_cast %swap3A_83 : vector<1x16xf32> to vector<16xf32>
      %swap3A_85 = vector.shape_cast %mul3A_80 : vector<16xf32> to vector<1x16xf32>
      tpu.vector_store %arg7[%swap3A_81, %swap3A_82], %swap3A_85 {strides = array<i32>} : memref<128x64xf32, #tpu.memory_space<vmem>>, vector<1x16xf32>,
      %mul3A_86 = arith.constant 5.000000e-03 : f32
      %mul3A_87 = vector.broadcast %mul3A_86 : f32 to vector<16xf32>
      %mul3A_88 = arith.mulf %scan3A_69#2, %mul3A_87 : vector<16xf32>
      %swap3A_89 = arith.index_cast %add3A_53 : i32 to index
      %swap3A_90 = arith.constant 32 : index
      %swap3A_91 = tpu.vector_load %arg7[%swap3A_89, %swap3A_90] {strides = array<i32>} : memref<128x64xf32, #tpu.memory_space<vmem>>, vector<1x16xf32>,
      %swap3A_92 = vector.shape_cast %swap3A_91 : vector<1x16xf32> to vector<16xf32>
      %swap3A_93 = vector.shape_cast %mul3A_88 : vector<16xf32> to vector<1x16xf32>
      tpu.vector_store %arg7[%swap3A_89, %swap3A_90], %swap3A_93 {strides = array<i32>} : memref<128x64xf32, #tpu.memory_space<vmem>>, vector<1x16xf32>,
      %mul3A_94 = arith.constant 5.000000e-03 : f32
      %mul3A_95 = vector.broadcast %mul3A_94 : f32 to vector<16xf32>
      %mul3A_96 = arith.mulf %scan3A_69#3, %mul3A_95 : vector<16xf32>
      %swap3A_97 = arith.index_cast %add3A_53 : i32 to index
      %swap3A_98 = arith.constant 48 : index
      %swap3A_99 = tpu.vector_load %arg7[%swap3A_97, %swap3A_98] {strides = array<i32>} : memref<128x64xf32, #tpu.memory_space<vmem>>, vector<1x16xf32>,
      %swap3A_100 = vector.shape_cast %swap3A_99 : vector<1x16xf32> to vector<16xf32>
      %swap3A_101 = vector.shape_cast %mul3A_96 : vector<16xf32> to vector<1x16xf32>
      tpu.vector_store %arg7[%swap3A_97, %swap3A_98], %swap3A_101 {strides = array<i32>} : memref<128x64xf32, #tpu.memory_space<vmem>>, vector<1x16xf32>,
      %lt3A = arith.constant 124 : i32
      %lt3A_102 = arith.cmpi slt, %add3A_53, %lt3A : i32
      %convert_element_type3A = arith.extui %lt3A_102 : i1 to i32
      %cond3A = arith.constant 0 : i32
      %cond3A_103 = arith.cmpi ne, %convert_element_type3A, %cond3A : i32
      scf.if %cond3A_103 {
        %add3A_284 = arith.constant 4 : i32
        %add3A_285 = arith.addi %add3A_53, %add3A_284 : i32
        %mul3A_286 = arith.constant 200 : i32
        %mul3A_287 = arith.muli %add3A_285, %mul3A_286 : i32
        %dma_start3A_288 = arith.constant 0 : i32
        %dma_start3A_289 = arith.constant 0 : i32
        %dma_start3A_290 = arith.constant 0 : i32
        %dma_start3A_291 = tpu.memref_slice %arg6[%dma_start3A_288, %dma_start3A_289, %dma_start3A_290] : memref<4x200x64xf32, #tpu.memory_space<vmem>> -> memref<1x200x64xf32, #tpu.memory_space<vmem>>
        %dma_start3A_292 = tpu.memref_squeeze %dma_start3A_291 : memref<1x200x64xf32, #tpu.memory_space<vmem>> -> memref<200x64xf32, #tpu.memory_space<vmem>>
        %dma_start3A_293 = tpu.memref_slice %arg5[%mul3A_287] : memref<25600xi32, #tpu.memory_space<vmem>> -> memref<200xi32, #tpu.memory_space<vmem>>
        %dma_start3A_294 = arith.constant 0 : i32
        %dma_start3A_295 = arith.constant 0 : i32
        %dma_start3A_296 = tpu.memref_slice %arg2[%dma_start3A_294, %dma_start3A_295] : memref<100000x64xf32, #tpu.memory_space<hbm>> -> memref<100000x64xf32, #tpu.memory_space<hbm>>
        tpu.enqueue_indirect_dma source(%dma_start3A_296 : memref<100000x64xf32, #tpu.memory_space<hbm>>) target(%dma_start3A_292 : memref<200x64xf32, #tpu.memory_space<vmem>>) offsets(%dma_start3A_293 : memref<200xi32, #tpu.memory_space<vmem>>) semaphore(%arg8 : memref<!tpu.dma_semaphore, #tpu.memory_space<semaphore_mem>>)
      } else {
      }
      %mul3A_104 = arith.constant 4 : i32
      %mul3A_105 = arith.muli %mul3A_104, %scan3A_49 : i32
      %add3A_106 = arith.constant 1 : i32
      %add3A_107 = arith.addi %mul3A_105, %add3A_106 : i32
      %mul3A_108 = arith.constant 200 : i32
      %mul3A_109 = arith.muli %add3A_107, %mul3A_108 : i32
      %dma_wait3A_110 = arith.constant 1 : i32
      %dma_wait3A_111 = arith.constant 0 : i32
      %dma_wait3A_112 = arith.constant 0 : i32
      %dma_wait3A_113 = tpu.memref_slice %arg6[%dma_wait3A_110, %dma_wait3A_111, %dma_wait3A_112] : memref<4x200x64xf32, #tpu.memory_space<vmem>> -> memref<1x200x64xf32, #tpu.memory_space<vmem>>
      %dma_wait3A_114 = tpu.memref_squeeze %dma_wait3A_113 : memref<1x200x64xf32, #tpu.memory_space<vmem>> -> memref<200x64xf32, #tpu.memory_space<vmem>>
      %dma_wait3A_115 = tpu.memref_slice %arg5[%mul3A_109] : memref<25600xi32, #tpu.memory_space<vmem>> -> memref<200xi32, #tpu.memory_space<vmem>>
      %dma_wait3A_116 = arith.constant 0 : i32
      %dma_wait3A_117 = arith.constant 0 : i32
      %dma_wait3A_118 = tpu.memref_slice %arg2[%dma_wait3A_116, %dma_wait3A_117] : memref<100000x64xf32, #tpu.memory_space<hbm>> -> memref<100000x64xf32, #tpu.memory_space<hbm>>
      tpu.wait_indirect_dma semaphore(%arg9 : memref<!tpu.dma_semaphore, #tpu.memory_space<semaphore_mem>>) src(%dma_wait3A_118 : memref<100000x64xf32, #tpu.memory_space<hbm>>) dst(%dma_wait3A_114 : memref<200x64xf32, #tpu.memory_space<vmem>>)
      %broadcast_in_dim3A_119 = arith.constant 0.000000e+00 : f32
      %broadcast_in_dim3A_120 = vector.broadcast %broadcast_in_dim3A_119 : f32 to vector<16xf32>
      %scan3A_121 = arith.constant 0 : i32
      %scan3A_122 = arith.constant 25 : i32
      %scan3A_123 = arith.addi %scan3A_121, %scan3A_122 : i32
      %scan3A_124 = arith.constant 1 : i32
      %scan3A_125:4 = scf.for %scan3A_284 = %scan3A_121 to %scan3A_123 step %scan3A_124 iter_args(%scan3A_285 = %broadcast_in_dim3A_120, %scan3A_286 = %broadcast_in_dim3A_120, %scan3A_287 = %broadcast_in_dim3A_120, %scan3A_288 = %broadcast_in_dim3A_120) -> (vector<16xf32>, vector<16xf32>, vector<16xf32>, vector<16xf32>)  : i32 {
        %mul3A_289 = arith.constant 8 : i32
        %mul3A_290 = arith.muli %scan3A_284, %mul3A_289 : i32
        %add3A_291 = arith.constant 0 : i32
        %add3A_292 = arith.addi %mul3A_290, %add3A_291 : i32
        %get3A = arith.constant 1 : i32
        %get3A_293 = arith.index_cast %get3A : i32 to index
        %get3A_294 = arith.index_cast %add3A_292 : i32 to index
        %get3A_295 = arith.constant 0 : index
        %get3A_296 = tpu.vector_load %arg6[%get3A_293, %get3A_294, %get3A_295] {strides = array<i32>} : memref<4x200x64xf32, #tpu.memory_space<vmem>>, vector<1x1x16xf32>,
        %get3A_297 = vector.shape_cast %get3A_296 : vector<1x1x16xf32> to vector<16xf32>
        %add3A_298 = arith.constant 1 : i32
        %add3A_299 = arith.addi %mul3A_290, %add3A_298 : i32
        %get3A_300 = arith.constant 1 : i32
        %get3A_301 = arith.index_cast %get3A_300 : i32 to index
        %get3A_302 = arith.index_cast %add3A_299 : i32 to index
        %get3A_303 = arith.constant 0 : index
        %get3A_304 = tpu.vector_load %arg6[%get3A_301, %get3A_302, %get3A_303] {strides = array<i32>} : memref<4x200x64xf32, #tpu.memory_space<vmem>>, vector<1x1x16xf32>,
        %get3A_305 = vector.shape_cast %get3A_304 : vector<1x1x16xf32> to vector<16xf32>
        %add3A_306 = arith.constant 2 : i32
        %add3A_307 = arith.addi %mul3A_290, %add3A_306 : i32
        %get3A_308 = arith.constant 1 : i32
        %get3A_309 = arith.index_cast %get3A_308 : i32 to index
        %get3A_310 = arith.index_cast %add3A_307 : i32 to index
        %get3A_311 = arith.constant 0 : index
        %get3A_312 = tpu.vector_load %arg6[%get3A_309, %get3A_310, %get3A_311] {strides = array<i32>} : memref<4x200x64xf32, #tpu.memory_space<vmem>>, vector<1x1x16xf32>,
        %get3A_313 = vector.shape_cast %get3A_312 : vector<1x1x16xf32> to vector<16xf32>
        %add3A_314 = arith.constant 3 : i32
        %add3A_315 = arith.addi %mul3A_290, %add3A_314 : i32
        %get3A_316 = arith.constant 1 : i32
        %get3A_317 = arith.index_cast %get3A_316 : i32 to index
        %get3A_318 = arith.index_cast %add3A_315 : i32 to index
        %get3A_319 = arith.constant 0 : index
        %get3A_320 = tpu.vector_load %arg6[%get3A_317, %get3A_318, %get3A_319] {strides = array<i32>} : memref<4x200x64xf32, #tpu.memory_space<vmem>>, vector<1x1x16xf32>,
        %get3A_321 = vector.shape_cast %get3A_320 : vector<1x1x16xf32> to vector<16xf32>
        %add3A_322 = arith.constant 4 : i32
        %add3A_323 = arith.addi %mul3A_290, %add3A_322 : i32
        %get3A_324 = arith.constant 1 : i32
        %get3A_325 = arith.index_cast %get3A_324 : i32 to index
        %get3A_326 = arith.index_cast %add3A_323 : i32 to index
        %get3A_327 = arith.constant 0 : index
        %get3A_328 = tpu.vector_load %arg6[%get3A_325, %get3A_326, %get3A_327] {strides = array<i32>} : memref<4x200x64xf32, #tpu.memory_space<vmem>>, vector<1x1x16xf32>,
        %get3A_329 = vector.shape_cast %get3A_328 : vector<1x1x16xf32> to vector<16xf32>
        %add3A_330 = arith.constant 5 : i32
        %add3A_331 = arith.addi %mul3A_290, %add3A_330 : i32
        %get3A_332 = arith.constant 1 : i32
        %get3A_333 = arith.index_cast %get3A_332 : i32 to index
        %get3A_334 = arith.index_cast %add3A_331 : i32 to index
        %get3A_335 = arith.constant 0 : index
        %get3A_336 = tpu.vector_load %arg6[%get3A_333, %get3A_334, %get3A_335] {strides = array<i32>} : memref<4x200x64xf32, #tpu.memory_space<vmem>>, vector<1x1x16xf32>,
        %get3A_337 = vector.shape_cast %get3A_336 : vector<1x1x16xf32> to vector<16xf32>
        %add3A_338 = arith.constant 6 : i32
        %add3A_339 = arith.addi %mul3A_290, %add3A_338 : i32
        %get3A_340 = arith.constant 1 : i32
        %get3A_341 = arith.index_cast %get3A_340 : i32 to index
        %get3A_342 = arith.index_cast %add3A_339 : i32 to index
        %get3A_343 = arith.constant 0 : index
        %get3A_344 = tpu.vector_load %arg6[%get3A_341, %get3A_342, %get3A_343] {strides = array<i32>} : memref<4x200x64xf32, #tpu.memory_space<vmem>>, vector<1x1x16xf32>,
        %get3A_345 = vector.shape_cast %get3A_344 : vector<1x1x16xf32> to vector<16xf32>
        %add3A_346 = arith.constant 7 : i32
        %add3A_347 = arith.addi %mul3A_290, %add3A_346 : i32
        %get3A_348 = arith.constant 1 : i32
        %get3A_349 = arith.index_cast %get3A_348 : i32 to index
        %get3A_350 = arith.index_cast %add3A_347 : i32 to index
        %get3A_351 = arith.constant 0 : index
        %get3A_352 = tpu.vector_load %arg6[%get3A_349, %get3A_350, %get3A_351] {strides = array<i32>} : memref<4x200x64xf32, #tpu.memory_space<vmem>>, vector<1x1x16xf32>,
        %get3A_353 = vector.shape_cast %get3A_352 : vector<1x1x16xf32> to vector<16xf32>
        %add3A_354 = arith.addf %get3A_297, %get3A_305 : vector<16xf32>
        %add3A_355 = arith.addf %get3A_313, %get3A_321 : vector<16xf32>
        %add3A_356 = arith.addf %add3A_354, %add3A_355 : vector<16xf32>
        %add3A_357 = arith.addf %get3A_329, %get3A_337 : vector<16xf32>
        %add3A_358 = arith.addf %get3A_345, %get3A_353 : vector<16xf32>
        %add3A_359 = arith.addf %add3A_357, %add3A_358 : vector<16xf32>
        %add3A_360 = arith.addf %add3A_356, %add3A_359 : vector<16xf32>
        %add3A_361 = arith.addf %scan3A_285, %add3A_360 : vector<16xf32>
        %add3A_362 = arith.constant 0 : i32
        %add3A_363 = arith.addi %mul3A_290, %add3A_362 : i32
        %get3A_364 = arith.constant 1 : i32
        %get3A_365 = arith.index_cast %get3A_364 : i32 to index
        %get3A_366 = arith.index_cast %add3A_363 : i32 to index
        %get3A_367 = arith.constant 16 : index
        %get3A_368 = tpu.vector_load %arg6[%get3A_365, %get3A_366, %get3A_367] {strides = array<i32>} : memref<4x200x64xf32, #tpu.memory_space<vmem>>, vector<1x1x16xf32>,
        %get3A_369 = vector.shape_cast %get3A_368 : vector<1x1x16xf32> to vector<16xf32>
        %add3A_370 = arith.constant 1 : i32
        %add3A_371 = arith.addi %mul3A_290, %add3A_370 : i32
        %get3A_372 = arith.constant 1 : i32
        %get3A_373 = arith.index_cast %get3A_372 : i32 to index
        %get3A_374 = arith.index_cast %add3A_371 : i32 to index
        %get3A_375 = arith.constant 16 : index
        %get3A_376 = tpu.vector_load %arg6[%get3A_373, %get3A_374, %get3A_375] {strides = array<i32>} : memref<4x200x64xf32, #tpu.memory_space<vmem>>, vector<1x1x16xf32>,
        %get3A_377 = vector.shape_cast %get3A_376 : vector<1x1x16xf32> to vector<16xf32>
        %add3A_378 = arith.constant 2 : i32
        %add3A_379 = arith.addi %mul3A_290, %add3A_378 : i32
        %get3A_380 = arith.constant 1 : i32
        %get3A_381 = arith.index_cast %get3A_380 : i32 to index
        %get3A_382 = arith.index_cast %add3A_379 : i32 to index
        %get3A_383 = arith.constant 16 : index
        %get3A_384 = tpu.vector_load %arg6[%get3A_381, %get3A_382, %get3A_383] {strides = array<i32>} : memref<4x200x64xf32, #tpu.memory_space<vmem>>, vector<1x1x16xf32>,
        %get3A_385 = vector.shape_cast %get3A_384 : vector<1x1x16xf32> to vector<16xf32>
        %add3A_386 = arith.constant 3 : i32
        %add3A_387 = arith.addi %mul3A_290, %add3A_386 : i32
        %get3A_388 = arith.constant 1 : i32
        %get3A_389 = arith.index_cast %get3A_388 : i32 to index
        %get3A_390 = arith.index_cast %add3A_387 : i32 to index
        %get3A_391 = arith.constant 16 : index
        %get3A_392 = tpu.vector_load %arg6[%get3A_389, %get3A_390, %get3A_391] {strides = array<i32>} : memref<4x200x64xf32, #tpu.memory_space<vmem>>, vector<1x1x16xf32>,
        %get3A_393 = vector.shape_cast %get3A_392 : vector<1x1x16xf32> to vector<16xf32>
        %add3A_394 = arith.constant 4 : i32
        %add3A_395 = arith.addi %mul3A_290, %add3A_394 : i32
        %get3A_396 = arith.constant 1 : i32
        %get3A_397 = arith.index_cast %get3A_396 : i32 to index
        %get3A_398 = arith.index_cast %add3A_395 : i32 to index
        %get3A_399 = arith.constant 16 : index
        %get3A_400 = tpu.vector_load %arg6[%get3A_397, %get3A_398, %get3A_399] {strides = array<i32>} : memref<4x200x64xf32, #tpu.memory_space<vmem>>, vector<1x1x16xf32>,
        %get3A_401 = vector.shape_cast %get3A_400 : vector<1x1x16xf32> to vector<16xf32>
        %add3A_402 = arith.constant 5 : i32
        %add3A_403 = arith.addi %mul3A_290, %add3A_402 : i32
        %get3A_404 = arith.constant 1 : i32
        %get3A_405 = arith.index_cast %get3A_404 : i32 to index
        %get3A_406 = arith.index_cast %add3A_403 : i32 to index
        %get3A_407 = arith.constant 16 : index
        %get3A_408 = tpu.vector_load %arg6[%get3A_405, %get3A_406, %get3A_407] {strides = array<i32>} : memref<4x200x64xf32, #tpu.memory_space<vmem>>, vector<1x1x16xf32>,
        %get3A_409 = vector.shape_cast %get3A_408 : vector<1x1x16xf32> to vector<16xf32>
        %add3A_410 = arith.constant 6 : i32
        %add3A_411 = arith.addi %mul3A_290, %add3A_410 : i32
        %get3A_412 = arith.constant 1 : i32
        %get3A_413 = arith.index_cast %get3A_412 : i32 to index
        %get3A_414 = arith.index_cast %add3A_411 : i32 to index
        %get3A_415 = arith.constant 16 : index
        %get3A_416 = tpu.vector_load %arg6[%get3A_413, %get3A_414, %get3A_415] {strides = array<i32>} : memref<4x200x64xf32, #tpu.memory_space<vmem>>, vector<1x1x16xf32>,
        %get3A_417 = vector.shape_cast %get3A_416 : vector<1x1x16xf32> to vector<16xf32>
        %add3A_418 = arith.constant 7 : i32
        %add3A_419 = arith.addi %mul3A_290, %add3A_418 : i32
        %get3A_420 = arith.constant 1 : i32
        %get3A_421 = arith.index_cast %get3A_420 : i32 to index
        %get3A_422 = arith.index_cast %add3A_419 : i32 to index
        %get3A_423 = arith.constant 16 : index
        %get3A_424 = tpu.vector_load %arg6[%get3A_421, %get3A_422, %get3A_423] {strides = array<i32>} : memref<4x200x64xf32, #tpu.memory_space<vmem>>, vector<1x1x16xf32>,
        %get3A_425 = vector.shape_cast %get3A_424 : vector<1x1x16xf32> to vector<16xf32>
        %add3A_426 = arith.addf %get3A_369, %get3A_377 : vector<16xf32>
        %add3A_427 = arith.addf %get3A_385, %get3A_393 : vector<16xf32>
        %add3A_428 = arith.addf %add3A_426, %add3A_427 : vector<16xf32>
        %add3A_429 = arith.addf %get3A_401, %get3A_409 : vector<16xf32>
        %add3A_430 = arith.addf %get3A_417, %get3A_425 : vector<16xf32>
        %add3A_431 = arith.addf %add3A_429, %add3A_430 : vector<16xf32>
        %add3A_432 = arith.addf %add3A_428, %add3A_431 : vector<16xf32>
        %add3A_433 = arith.addf %scan3A_286, %add3A_432 : vector<16xf32>
        %add3A_434 = arith.constant 0 : i32
        %add3A_435 = arith.addi %mul3A_290, %add3A_434 : i32
        %get3A_436 = arith.constant 1 : i32
        %get3A_437 = arith.index_cast %get3A_436 : i32 to index
        %get3A_438 = arith.index_cast %add3A_435 : i32 to index
        %get3A_439 = arith.constant 32 : index
        %get3A_440 = tpu.vector_load %arg6[%get3A_437, %get3A_438, %get3A_439] {strides = array<i32>} : memref<4x200x64xf32, #tpu.memory_space<vmem>>, vector<1x1x16xf32>,
        %get3A_441 = vector.shape_cast %get3A_440 : vector<1x1x16xf32> to vector<16xf32>
        %add3A_442 = arith.constant 1 : i32
        %add3A_443 = arith.addi %mul3A_290, %add3A_442 : i32
        %get3A_444 = arith.constant 1 : i32
        %get3A_445 = arith.index_cast %get3A_444 : i32 to index
        %get3A_446 = arith.index_cast %add3A_443 : i32 to index
        %get3A_447 = arith.constant 32 : index
        %get3A_448 = tpu.vector_load %arg6[%get3A_445, %get3A_446, %get3A_447] {strides = array<i32>} : memref<4x200x64xf32, #tpu.memory_space<vmem>>, vector<1x1x16xf32>,
        %get3A_449 = vector.shape_cast %get3A_448 : vector<1x1x16xf32> to vector<16xf32>
        %add3A_450 = arith.constant 2 : i32
        %add3A_451 = arith.addi %mul3A_290, %add3A_450 : i32
        %get3A_452 = arith.constant 1 : i32
        %get3A_453 = arith.index_cast %get3A_452 : i32 to index
        %get3A_454 = arith.index_cast %add3A_451 : i32 to index
        %get3A_455 = arith.constant 32 : index
        %get3A_456 = tpu.vector_load %arg6[%get3A_453, %get3A_454, %get3A_455] {strides = array<i32>} : memref<4x200x64xf32, #tpu.memory_space<vmem>>, vector<1x1x16xf32>,
        %get3A_457 = vector.shape_cast %get3A_456 : vector<1x1x16xf32> to vector<16xf32>
        %add3A_458 = arith.constant 3 : i32
        %add3A_459 = arith.addi %mul3A_290, %add3A_458 : i32
        %get3A_460 = arith.constant 1 : i32
        %get3A_461 = arith.index_cast %get3A_460 : i32 to index
        %get3A_462 = arith.index_cast %add3A_459 : i32 to index
        %get3A_463 = arith.constant 32 : index
        %get3A_464 = tpu.vector_load %arg6[%get3A_461, %get3A_462, %get3A_463] {strides = array<i32>} : memref<4x200x64xf32, #tpu.memory_space<vmem>>, vector<1x1x16xf32>,
        %get3A_465 = vector.shape_cast %get3A_464 : vector<1x1x16xf32> to vector<16xf32>
        %add3A_466 = arith.constant 4 : i32
        %add3A_467 = arith.addi %mul3A_290, %add3A_466 : i32
        %get3A_468 = arith.constant 1 : i32
        %get3A_469 = arith.index_cast %get3A_468 : i32 to index
        %get3A_470 = arith.index_cast %add3A_467 : i32 to index
        %get3A_471 = arith.constant 32 : index
        %get3A_472 = tpu.vector_load %arg6[%get3A_469, %get3A_470, %get3A_471] {strides = array<i32>} : memref<4x200x64xf32, #tpu.memory_space<vmem>>, vector<1x1x16xf32>,
        %get3A_473 = vector.shape_cast %get3A_472 : vector<1x1x16xf32> to vector<16xf32>
        %add3A_474 = arith.constant 5 : i32
        %add3A_475 = arith.addi %mul3A_290, %add3A_474 : i32
        %get3A_476 = arith.constant 1 : i32
        %get3A_477 = arith.index_cast %get3A_476 : i32 to index
        %get3A_478 = arith.index_cast %add3A_475 : i32 to index
        %get3A_479 = arith.constant 32 : index
        %get3A_480 = tpu.vector_load %arg6[%get3A_477, %get3A_478, %get3A_479] {strides = array<i32>} : memref<4x200x64xf32, #tpu.memory_space<vmem>>, vector<1x1x16xf32>,
        %get3A_481 = vector.shape_cast %get3A_480 : vector<1x1x16xf32> to vector<16xf32>
        %add3A_482 = arith.constant 6 : i32
        %add3A_483 = arith.addi %mul3A_290, %add3A_482 : i32
        %get3A_484 = arith.constant 1 : i32
        %get3A_485 = arith.index_cast %get3A_484 : i32 to index
        %get3A_486 = arith.index_cast %add3A_483 : i32 to index
        %get3A_487 = arith.constant 32 : index
        %get3A_488 = tpu.vector_load %arg6[%get3A_485, %get3A_486, %get3A_487] {strides = array<i32>} : memref<4x200x64xf32, #tpu.memory_space<vmem>>, vector<1x1x16xf32>,
        %get3A_489 = vector.shape_cast %get3A_488 : vector<1x1x16xf32> to vector<16xf32>
        %add3A_490 = arith.constant 7 : i32
        %add3A_491 = arith.addi %mul3A_290, %add3A_490 : i32
        %get3A_492 = arith.constant 1 : i32
        %get3A_493 = arith.index_cast %get3A_492 : i32 to index
        %get3A_494 = arith.index_cast %add3A_491 : i32 to index
        %get3A_495 = arith.constant 32 : index
        %get3A_496 = tpu.vector_load %arg6[%get3A_493, %get3A_494, %get3A_495] {strides = array<i32>} : memref<4x200x64xf32, #tpu.memory_space<vmem>>, vector<1x1x16xf32>,
        %get3A_497 = vector.shape_cast %get3A_496 : vector<1x1x16xf32> to vector<16xf32>
        %add3A_498 = arith.addf %get3A_441, %get3A_449 : vector<16xf32>
        %add3A_499 = arith.addf %get3A_457, %get3A_465 : vector<16xf32>
        %add3A_500 = arith.addf %add3A_498, %add3A_499 : vector<16xf32>
        %add3A_501 = arith.addf %get3A_473, %get3A_481 : vector<16xf32>
        %add3A_502 = arith.addf %get3A_489, %get3A_497 : vector<16xf32>
        %add3A_503 = arith.addf %add3A_501, %add3A_502 : vector<16xf32>
        %add3A_504 = arith.addf %add3A_500, %add3A_503 : vector<16xf32>
        %add3A_505 = arith.addf %scan3A_287, %add3A_504 : vector<16xf32>
        %add3A_506 = arith.constant 0 : i32
        %add3A_507 = arith.addi %mul3A_290, %add3A_506 : i32
        %get3A_508 = arith.constant 1 : i32
        %get3A_509 = arith.index_cast %get3A_508 : i32 to index
        %get3A_510 = arith.index_cast %add3A_507 : i32 to index
        %get3A_511 = arith.constant 48 : index
        %get3A_512 = tpu.vector_load %arg6[%get3A_509, %get3A_510, %get3A_511] {strides = array<i32>} : memref<4x200x64xf32, #tpu.memory_space<vmem>>, vector<1x1x16xf32>,
        %get3A_513 = vector.shape_cast %get3A_512 : vector<1x1x16xf32> to vector<16xf32>
        %add3A_514 = arith.constant 1 : i32
        %add3A_515 = arith.addi %mul3A_290, %add3A_514 : i32
        %get3A_516 = arith.constant 1 : i32
        %get3A_517 = arith.index_cast %get3A_516 : i32 to index
        %get3A_518 = arith.index_cast %add3A_515 : i32 to index
        %get3A_519 = arith.constant 48 : index
        %get3A_520 = tpu.vector_load %arg6[%get3A_517, %get3A_518, %get3A_519] {strides = array<i32>} : memref<4x200x64xf32, #tpu.memory_space<vmem>>, vector<1x1x16xf32>,
        %get3A_521 = vector.shape_cast %get3A_520 : vector<1x1x16xf32> to vector<16xf32>
        %add3A_522 = arith.constant 2 : i32
        %add3A_523 = arith.addi %mul3A_290, %add3A_522 : i32
        %get3A_524 = arith.constant 1 : i32
        %get3A_525 = arith.index_cast %get3A_524 : i32 to index
        %get3A_526 = arith.index_cast %add3A_523 : i32 to index
        %get3A_527 = arith.constant 48 : index
        %get3A_528 = tpu.vector_load %arg6[%get3A_525, %get3A_526, %get3A_527] {strides = array<i32>} : memref<4x200x64xf32, #tpu.memory_space<vmem>>, vector<1x1x16xf32>,
        %get3A_529 = vector.shape_cast %get3A_528 : vector<1x1x16xf32> to vector<16xf32>
        %add3A_530 = arith.constant 3 : i32
        %add3A_531 = arith.addi %mul3A_290, %add3A_530 : i32
        %get3A_532 = arith.constant 1 : i32
        %get3A_533 = arith.index_cast %get3A_532 : i32 to index
        %get3A_534 = arith.index_cast %add3A_531 : i32 to index
        %get3A_535 = arith.constant 48 : index
        %get3A_536 = tpu.vector_load %arg6[%get3A_533, %get3A_534, %get3A_535] {strides = array<i32>} : memref<4x200x64xf32, #tpu.memory_space<vmem>>, vector<1x1x16xf32>,
        %get3A_537 = vector.shape_cast %get3A_536 : vector<1x1x16xf32> to vector<16xf32>
        %add3A_538 = arith.constant 4 : i32
        %add3A_539 = arith.addi %mul3A_290, %add3A_538 : i32
        %get3A_540 = arith.constant 1 : i32
        %get3A_541 = arith.index_cast %get3A_540 : i32 to index
        %get3A_542 = arith.index_cast %add3A_539 : i32 to index
        %get3A_543 = arith.constant 48 : index
        %get3A_544 = tpu.vector_load %arg6[%get3A_541, %get3A_542, %get3A_543] {strides = array<i32>} : memref<4x200x64xf32, #tpu.memory_space<vmem>>, vector<1x1x16xf32>,
        %get3A_545 = vector.shape_cast %get3A_544 : vector<1x1x16xf32> to vector<16xf32>
        %add3A_546 = arith.constant 5 : i32
        %add3A_547 = arith.addi %mul3A_290, %add3A_546 : i32
        %get3A_548 = arith.constant 1 : i32
        %get3A_549 = arith.index_cast %get3A_548 : i32 to index
        %get3A_550 = arith.index_cast %add3A_547 : i32 to index
        %get3A_551 = arith.constant 48 : index
        %get3A_552 = tpu.vector_load %arg6[%get3A_549, %get3A_550, %get3A_551] {strides = array<i32>} : memref<4x200x64xf32, #tpu.memory_space<vmem>>, vector<1x1x16xf32>,
        %get3A_553 = vector.shape_cast %get3A_552 : vector<1x1x16xf32> to vector<16xf32>
        %add3A_554 = arith.constant 6 : i32
        %add3A_555 = arith.addi %mul3A_290, %add3A_554 : i32
        %get3A_556 = arith.constant 1 : i32
        %get3A_557 = arith.index_cast %get3A_556 : i32 to index
        %get3A_558 = arith.index_cast %add3A_555 : i32 to index
        %get3A_559 = arith.constant 48 : index
        %get3A_560 = tpu.vector_load %arg6[%get3A_557, %get3A_558, %get3A_559] {strides = array<i32>} : memref<4x200x64xf32, #tpu.memory_space<vmem>>, vector<1x1x16xf32>,
        %get3A_561 = vector.shape_cast %get3A_560 : vector<1x1x16xf32> to vector<16xf32>
        %add3A_562 = arith.constant 7 : i32
        %add3A_563 = arith.addi %mul3A_290, %add3A_562 : i32
        %get3A_564 = arith.constant 1 : i32
        %get3A_565 = arith.index_cast %get3A_564 : i32 to index
        %get3A_566 = arith.index_cast %add3A_563 : i32 to index
        %get3A_567 = arith.constant 48 : index
        %get3A_568 = tpu.vector_load %arg6[%get3A_565, %get3A_566, %get3A_567] {strides = array<i32>} : memref<4x200x64xf32, #tpu.memory_space<vmem>>, vector<1x1x16xf32>,
        %get3A_569 = vector.shape_cast %get3A_568 : vector<1x1x16xf32> to vector<16xf32>
        %add3A_570 = arith.addf %get3A_513, %get3A_521 : vector<16xf32>
        %add3A_571 = arith.addf %get3A_529, %get3A_537 : vector<16xf32>
        %add3A_572 = arith.addf %add3A_570, %add3A_571 : vector<16xf32>
        %add3A_573 = arith.addf %get3A_545, %get3A_553 : vector<16xf32>
        %add3A_574 = arith.addf %get3A_561, %get3A_569 : vector<16xf32>
        %add3A_575 = arith.addf %add3A_573, %add3A_574 : vector<16xf32>
        %add3A_576 = arith.addf %add3A_572, %add3A_575 : vector<16xf32>
        %add3A_577 = arith.addf %scan3A_288, %add3A_576 : vector<16xf32>
        scf.yield %add3A_361, %add3A_433, %add3A_505, %add3A_577 : vector<16xf32>, vector<16xf32>, vector<16xf32>, vector<16xf32>
      }
      %scan3A_126 = arith.constant 25 : i32
      %mul3A_127 = arith.constant 5.000000e-03 : f32
      %mul3A_128 = vector.broadcast %mul3A_127 : f32 to vector<16xf32>
      %mul3A_129 = arith.mulf %scan3A_125#0, %mul3A_128 : vector<16xf32>
      %swap3A_130 = arith.index_cast %add3A_107 : i32 to index
      %swap3A_131 = arith.constant 0 : index
      %swap3A_132 = tpu.vector_load %arg7[%swap3A_130, %swap3A_131] {strides = array<i32>} : memref<128x64xf32, #tpu.memory_space<vmem>>, vector<1x16xf32>,
      %swap3A_133 = vector.shape_cast %swap3A_132 : vector<1x16xf32> to vector<16xf32>
      %swap3A_134 = vector.shape_cast %mul3A_129 : vector<16xf32> to vector<1x16xf32>
      tpu.vector_store %arg7[%swap3A_130, %swap3A_131], %swap3A_134 {strides = array<i32>} : memref<128x64xf32, #tpu.memory_space<vmem>>, vector<1x16xf32>,
      %mul3A_135 = arith.constant 5.000000e-03 : f32
      %mul3A_136 = vector.broadcast %mul3A_135 : f32 to vector<16xf32>
      %mul3A_137 = arith.mulf %scan3A_125#1, %mul3A_136 : vector<16xf32>
      %swap3A_138 = arith.index_cast %add3A_107 : i32 to index
      %swap3A_139 = arith.constant 16 : index
      %swap3A_140 = tpu.vector_load %arg7[%swap3A_138, %swap3A_139] {strides = array<i32>} : memref<128x64xf32, #tpu.memory_space<vmem>>, vector<1x16xf32>,
      %swap3A_141 = vector.shape_cast %swap3A_140 : vector<1x16xf32> to vector<16xf32>
      %swap3A_142 = vector.shape_cast %mul3A_137 : vector<16xf32> to vector<1x16xf32>
      tpu.vector_store %arg7[%swap3A_138, %swap3A_139], %swap3A_142 {strides = array<i32>} : memref<128x64xf32, #tpu.memory_space<vmem>>, vector<1x16xf32>,
      %mul3A_143 = arith.constant 5.000000e-03 : f32
      %mul3A_144 = vector.broadcast %mul3A_143 : f32 to vector<16xf32>
      %mul3A_145 = arith.mulf %scan3A_125#2, %mul3A_144 : vector<16xf32>
      %swap3A_146 = arith.index_cast %add3A_107 : i32 to index
      %swap3A_147 = arith.constant 32 : index
      %swap3A_148 = tpu.vector_load %arg7[%swap3A_146, %swap3A_147] {strides = array<i32>} : memref<128x64xf32, #tpu.memory_space<vmem>>, vector<1x16xf32>,
      %swap3A_149 = vector.shape_cast %swap3A_148 : vector<1x16xf32> to vector<16xf32>
      %swap3A_150 = vector.shape_cast %mul3A_145 : vector<16xf32> to vector<1x16xf32>
      tpu.vector_store %arg7[%swap3A_146, %swap3A_147], %swap3A_150 {strides = array<i32>} : memref<128x64xf32, #tpu.memory_space<vmem>>, vector<1x16xf32>,
      %mul3A_151 = arith.constant 5.000000e-03 : f32
      %mul3A_152 = vector.broadcast %mul3A_151 : f32 to vector<16xf32>
      %mul3A_153 = arith.mulf %scan3A_125#3, %mul3A_152 : vector<16xf32>
      %swap3A_154 = arith.index_cast %add3A_107 : i32 to index
      %swap3A_155 = arith.constant 48 : index
      %swap3A_156 = tpu.vector_load %arg7[%swap3A_154, %swap3A_155] {strides = array<i32>} : memref<128x64xf32, #tpu.memory_space<vmem>>, vector<1x16xf32>,
      %swap3A_157 = vector.shape_cast %swap3A_156 : vector<1x16xf32> to vector<16xf32>
      %swap3A_158 = vector.shape_cast %mul3A_153 : vector<16xf32> to vector<1x16xf32>
      tpu.vector_store %arg7[%swap3A_154, %swap3A_155], %swap3A_158 {strides = array<i32>} : memref<128x64xf32, #tpu.memory_space<vmem>>, vector<1x16xf32>,
      %lt3A_159 = arith.constant 124 : i32
      %lt3A_160 = arith.cmpi slt, %add3A_107, %lt3A_159 : i32
      %convert_element_type3A_161 = arith.extui %lt3A_160 : i1 to i32
      %cond3A_162 = arith.constant 0 : i32
      %cond3A_163 = arith.cmpi ne, %convert_element_type3A_161, %cond3A_162 : i32
      scf.if %cond3A_163 {
        %add3A_284 = arith.constant 4 : i32
        %add3A_285 = arith.addi %add3A_107, %add3A_284 : i32
        %mul3A_286 = arith.constant 200 : i32
        %mul3A_287 = arith.muli %add3A_285, %mul3A_286 : i32
        %dma_start3A_288 = arith.constant 1 : i32
        %dma_start3A_289 = arith.constant 0 : i32
        %dma_start3A_290 = arith.constant 0 : i32
        %dma_start3A_291 = tpu.memref_slice %arg6[%dma_start3A_288, %dma_start3A_289, %dma_start3A_290] : memref<4x200x64xf32, #tpu.memory_space<vmem>> -> memref<1x200x64xf32, #tpu.memory_space<vmem>>
        %dma_start3A_292 = tpu.memref_squeeze %dma_start3A_291 : memref<1x200x64xf32, #tpu.memory_space<vmem>> -> memref<200x64xf32, #tpu.memory_space<vmem>>
        %dma_start3A_293 = tpu.memref_slice %arg5[%mul3A_287] : memref<25600xi32, #tpu.memory_space<vmem>> -> memref<200xi32, #tpu.memory_space<vmem>>
        %dma_start3A_294 = arith.constant 0 : i32
        %dma_start3A_295 = arith.constant 0 : i32
        %dma_start3A_296 = tpu.memref_slice %arg2[%dma_start3A_294, %dma_start3A_295] : memref<100000x64xf32, #tpu.memory_space<hbm>> -> memref<100000x64xf32, #tpu.memory_space<hbm>>
        tpu.enqueue_indirect_dma source(%dma_start3A_296 : memref<100000x64xf32, #tpu.memory_space<hbm>>) target(%dma_start3A_292 : memref<200x64xf32, #tpu.memory_space<vmem>>) offsets(%dma_start3A_293 : memref<200xi32, #tpu.memory_space<vmem>>) semaphore(%arg9 : memref<!tpu.dma_semaphore, #tpu.memory_space<semaphore_mem>>)
      } else {
      }
      %mul3A_164 = arith.constant 4 : i32
      %mul3A_165 = arith.muli %mul3A_164, %scan3A_49 : i32
      %add3A_166 = arith.constant 2 : i32
      %add3A_167 = arith.addi %mul3A_165, %add3A_166 : i32
      %mul3A_168 = arith.constant 200 : i32
      %mul3A_169 = arith.muli %add3A_167, %mul3A_168 : i32
      %dma_wait3A_170 = arith.constant 2 : i32
      %dma_wait3A_171 = arith.constant 0 : i32
      %dma_wait3A_172 = arith.constant 0 : i32
      %dma_wait3A_173 = tpu.memref_slice %arg6[%dma_wait3A_170, %dma_wait3A_171, %dma_wait3A_172] : memref<4x200x64xf32, #tpu.memory_space<vmem>> -> memref<1x200x64xf32, #tpu.memory_space<vmem>>
      %dma_wait3A_174 = tpu.memref_squeeze %dma_wait3A_173 : memref<1x200x64xf32, #tpu.memory_space<vmem>> -> memref<200x64xf32, #tpu.memory_space<vmem>>
      %dma_wait3A_175 = tpu.memref_slice %arg5[%mul3A_169] : memref<25600xi32, #tpu.memory_space<vmem>> -> memref<200xi32, #tpu.memory_space<vmem>>
      %dma_wait3A_176 = arith.constant 0 : i32
      %dma_wait3A_177 = arith.constant 0 : i32
      %dma_wait3A_178 = tpu.memref_slice %arg2[%dma_wait3A_176, %dma_wait3A_177] : memref<100000x64xf32, #tpu.memory_space<hbm>> -> memref<100000x64xf32, #tpu.memory_space<hbm>>
      tpu.wait_indirect_dma semaphore(%arg10 : memref<!tpu.dma_semaphore, #tpu.memory_space<semaphore_mem>>) src(%dma_wait3A_178 : memref<100000x64xf32, #tpu.memory_space<hbm>>) dst(%dma_wait3A_174 : memref<200x64xf32, #tpu.memory_space<vmem>>)
      %broadcast_in_dim3A_179 = arith.constant 0.000000e+00 : f32
      %broadcast_in_dim3A_180 = vector.broadcast %broadcast_in_dim3A_179 : f32 to vector<16xf32>
      %scan3A_181 = arith.constant 0 : i32
      %scan3A_182 = arith.constant 25 : i32
      %scan3A_183 = arith.addi %scan3A_181, %scan3A_182 : i32
      %scan3A_184 = arith.constant 1 : i32
      %scan3A_185:4 = scf.for %scan3A_284 = %scan3A_181 to %scan3A_183 step %scan3A_184 iter_args(%scan3A_285 = %broadcast_in_dim3A_180, %scan3A_286 = %broadcast_in_dim3A_180, %scan3A_287 = %broadcast_in_dim3A_180, %scan3A_288 = %broadcast_in_dim3A_180) -> (vector<16xf32>, vector<16xf32>, vector<16xf32>, vector<16xf32>)  : i32 {
        %mul3A_289 = arith.constant 8 : i32
        %mul3A_290 = arith.muli %scan3A_284, %mul3A_289 : i32
        %add3A_291 = arith.constant 0 : i32
        %add3A_292 = arith.addi %mul3A_290, %add3A_291 : i32
        %get3A = arith.constant 2 : i32
        %get3A_293 = arith.index_cast %get3A : i32 to index
        %get3A_294 = arith.index_cast %add3A_292 : i32 to index
        %get3A_295 = arith.constant 0 : index
        %get3A_296 = tpu.vector_load %arg6[%get3A_293, %get3A_294, %get3A_295] {strides = array<i32>} : memref<4x200x64xf32, #tpu.memory_space<vmem>>, vector<1x1x16xf32>,
        %get3A_297 = vector.shape_cast %get3A_296 : vector<1x1x16xf32> to vector<16xf32>
        %add3A_298 = arith.constant 1 : i32
        %add3A_299 = arith.addi %mul3A_290, %add3A_298 : i32
        %get3A_300 = arith.constant 2 : i32
        %get3A_301 = arith.index_cast %get3A_300 : i32 to index
        %get3A_302 = arith.index_cast %add3A_299 : i32 to index
        %get3A_303 = arith.constant 0 : index
        %get3A_304 = tpu.vector_load %arg6[%get3A_301, %get3A_302, %get3A_303] {strides = array<i32>} : memref<4x200x64xf32, #tpu.memory_space<vmem>>, vector<1x1x16xf32>,
        %get3A_305 = vector.shape_cast %get3A_304 : vector<1x1x16xf32> to vector<16xf32>
        %add3A_306 = arith.constant 2 : i32
        %add3A_307 = arith.addi %mul3A_290, %add3A_306 : i32
        %get3A_308 = arith.constant 2 : i32
        %get3A_309 = arith.index_cast %get3A_308 : i32 to index
        %get3A_310 = arith.index_cast %add3A_307 : i32 to index
        %get3A_311 = arith.constant 0 : index
        %get3A_312 = tpu.vector_load %arg6[%get3A_309, %get3A_310, %get3A_311] {strides = array<i32>} : memref<4x200x64xf32, #tpu.memory_space<vmem>>, vector<1x1x16xf32>,
        %get3A_313 = vector.shape_cast %get3A_312 : vector<1x1x16xf32> to vector<16xf32>
        %add3A_314 = arith.constant 3 : i32
        %add3A_315 = arith.addi %mul3A_290, %add3A_314 : i32
        %get3A_316 = arith.constant 2 : i32
        %get3A_317 = arith.index_cast %get3A_316 : i32 to index
        %get3A_318 = arith.index_cast %add3A_315 : i32 to index
        %get3A_319 = arith.constant 0 : index
        %get3A_320 = tpu.vector_load %arg6[%get3A_317, %get3A_318, %get3A_319] {strides = array<i32>} : memref<4x200x64xf32, #tpu.memory_space<vmem>>, vector<1x1x16xf32>,
        %get3A_321 = vector.shape_cast %get3A_320 : vector<1x1x16xf32> to vector<16xf32>
        %add3A_322 = arith.constant 4 : i32
        %add3A_323 = arith.addi %mul3A_290, %add3A_322 : i32
        %get3A_324 = arith.constant 2 : i32
        %get3A_325 = arith.index_cast %get3A_324 : i32 to index
        %get3A_326 = arith.index_cast %add3A_323 : i32 to index
        %get3A_327 = arith.constant 0 : index
        %get3A_328 = tpu.vector_load %arg6[%get3A_325, %get3A_326, %get3A_327] {strides = array<i32>} : memref<4x200x64xf32, #tpu.memory_space<vmem>>, vector<1x1x16xf32>,
        %get3A_329 = vector.shape_cast %get3A_328 : vector<1x1x16xf32> to vector<16xf32>
        %add3A_330 = arith.constant 5 : i32
        %add3A_331 = arith.addi %mul3A_290, %add3A_330 : i32
        %get3A_332 = arith.constant 2 : i32
        %get3A_333 = arith.index_cast %get3A_332 : i32 to index
        %get3A_334 = arith.index_cast %add3A_331 : i32 to index
        %get3A_335 = arith.constant 0 : index
        %get3A_336 = tpu.vector_load %arg6[%get3A_333, %get3A_334, %get3A_335] {strides = array<i32>} : memref<4x200x64xf32, #tpu.memory_space<vmem>>, vector<1x1x16xf32>,
        %get3A_337 = vector.shape_cast %get3A_336 : vector<1x1x16xf32> to vector<16xf32>
        %add3A_338 = arith.constant 6 : i32
        %add3A_339 = arith.addi %mul3A_290, %add3A_338 : i32
        %get3A_340 = arith.constant 2 : i32
        %get3A_341 = arith.index_cast %get3A_340 : i32 to index
        %get3A_342 = arith.index_cast %add3A_339 : i32 to index
        %get3A_343 = arith.constant 0 : index
        %get3A_344 = tpu.vector_load %arg6[%get3A_341, %get3A_342, %get3A_343] {strides = array<i32>} : memref<4x200x64xf32, #tpu.memory_space<vmem>>, vector<1x1x16xf32>,
        %get3A_345 = vector.shape_cast %get3A_344 : vector<1x1x16xf32> to vector<16xf32>
        %add3A_346 = arith.constant 7 : i32
        %add3A_347 = arith.addi %mul3A_290, %add3A_346 : i32
        %get3A_348 = arith.constant 2 : i32
        %get3A_349 = arith.index_cast %get3A_348 : i32 to index
        %get3A_350 = arith.index_cast %add3A_347 : i32 to index
        %get3A_351 = arith.constant 0 : index
        %get3A_352 = tpu.vector_load %arg6[%get3A_349, %get3A_350, %get3A_351] {strides = array<i32>} : memref<4x200x64xf32, #tpu.memory_space<vmem>>, vector<1x1x16xf32>,
        %get3A_353 = vector.shape_cast %get3A_352 : vector<1x1x16xf32> to vector<16xf32>
        %add3A_354 = arith.addf %get3A_297, %get3A_305 : vector<16xf32>
        %add3A_355 = arith.addf %get3A_313, %get3A_321 : vector<16xf32>
        %add3A_356 = arith.addf %add3A_354, %add3A_355 : vector<16xf32>
        %add3A_357 = arith.addf %get3A_329, %get3A_337 : vector<16xf32>
        %add3A_358 = arith.addf %get3A_345, %get3A_353 : vector<16xf32>
        %add3A_359 = arith.addf %add3A_357, %add3A_358 : vector<16xf32>
        %add3A_360 = arith.addf %add3A_356, %add3A_359 : vector<16xf32>
        %add3A_361 = arith.addf %scan3A_285, %add3A_360 : vector<16xf32>
        %add3A_362 = arith.constant 0 : i32
        %add3A_363 = arith.addi %mul3A_290, %add3A_362 : i32
        %get3A_364 = arith.constant 2 : i32
        %get3A_365 = arith.index_cast %get3A_364 : i32 to index
        %get3A_366 = arith.index_cast %add3A_363 : i32 to index
        %get3A_367 = arith.constant 16 : index
        %get3A_368 = tpu.vector_load %arg6[%get3A_365, %get3A_366, %get3A_367] {strides = array<i32>} : memref<4x200x64xf32, #tpu.memory_space<vmem>>, vector<1x1x16xf32>,
        %get3A_369 = vector.shape_cast %get3A_368 : vector<1x1x16xf32> to vector<16xf32>
        %add3A_370 = arith.constant 1 : i32
        %add3A_371 = arith.addi %mul3A_290, %add3A_370 : i32
        %get3A_372 = arith.constant 2 : i32
        %get3A_373 = arith.index_cast %get3A_372 : i32 to index
        %get3A_374 = arith.index_cast %add3A_371 : i32 to index
        %get3A_375 = arith.constant 16 : index
        %get3A_376 = tpu.vector_load %arg6[%get3A_373, %get3A_374, %get3A_375] {strides = array<i32>} : memref<4x200x64xf32, #tpu.memory_space<vmem>>, vector<1x1x16xf32>,
        %get3A_377 = vector.shape_cast %get3A_376 : vector<1x1x16xf32> to vector<16xf32>
        %add3A_378 = arith.constant 2 : i32
        %add3A_379 = arith.addi %mul3A_290, %add3A_378 : i32
        %get3A_380 = arith.constant 2 : i32
        %get3A_381 = arith.index_cast %get3A_380 : i32 to index
        %get3A_382 = arith.index_cast %add3A_379 : i32 to index
        %get3A_383 = arith.constant 16 : index
        %get3A_384 = tpu.vector_load %arg6[%get3A_381, %get3A_382, %get3A_383] {strides = array<i32>} : memref<4x200x64xf32, #tpu.memory_space<vmem>>, vector<1x1x16xf32>,
        %get3A_385 = vector.shape_cast %get3A_384 : vector<1x1x16xf32> to vector<16xf32>
        %add3A_386 = arith.constant 3 : i32
        %add3A_387 = arith.addi %mul3A_290, %add3A_386 : i32
        %get3A_388 = arith.constant 2 : i32
        %get3A_389 = arith.index_cast %get3A_388 : i32 to index
        %get3A_390 = arith.index_cast %add3A_387 : i32 to index
        %get3A_391 = arith.constant 16 : index
        %get3A_392 = tpu.vector_load %arg6[%get3A_389, %get3A_390, %get3A_391] {strides = array<i32>} : memref<4x200x64xf32, #tpu.memory_space<vmem>>, vector<1x1x16xf32>,
        %get3A_393 = vector.shape_cast %get3A_392 : vector<1x1x16xf32> to vector<16xf32>
        %add3A_394 = arith.constant 4 : i32
        %add3A_395 = arith.addi %mul3A_290, %add3A_394 : i32
        %get3A_396 = arith.constant 2 : i32
        %get3A_397 = arith.index_cast %get3A_396 : i32 to index
        %get3A_398 = arith.index_cast %add3A_395 : i32 to index
        %get3A_399 = arith.constant 16 : index
        %get3A_400 = tpu.vector_load %arg6[%get3A_397, %get3A_398, %get3A_399] {strides = array<i32>} : memref<4x200x64xf32, #tpu.memory_space<vmem>>, vector<1x1x16xf32>,
        %get3A_401 = vector.shape_cast %get3A_400 : vector<1x1x16xf32> to vector<16xf32>
        %add3A_402 = arith.constant 5 : i32
        %add3A_403 = arith.addi %mul3A_290, %add3A_402 : i32
        %get3A_404 = arith.constant 2 : i32
        %get3A_405 = arith.index_cast %get3A_404 : i32 to index
        %get3A_406 = arith.index_cast %add3A_403 : i32 to index
        %get3A_407 = arith.constant 16 : index
        %get3A_408 = tpu.vector_load %arg6[%get3A_405, %get3A_406, %get3A_407] {strides = array<i32>} : memref<4x200x64xf32, #tpu.memory_space<vmem>>, vector<1x1x16xf32>,
        %get3A_409 = vector.shape_cast %get3A_408 : vector<1x1x16xf32> to vector<16xf32>
        %add3A_410 = arith.constant 6 : i32
        %add3A_411 = arith.addi %mul3A_290, %add3A_410 : i32
        %get3A_412 = arith.constant 2 : i32
        %get3A_413 = arith.index_cast %get3A_412 : i32 to index
        %get3A_414 = arith.index_cast %add3A_411 : i32 to index
        %get3A_415 = arith.constant 16 : index
        %get3A_416 = tpu.vector_load %arg6[%get3A_413, %get3A_414, %get3A_415] {strides = array<i32>} : memref<4x200x64xf32, #tpu.memory_space<vmem>>, vector<1x1x16xf32>,
        %get3A_417 = vector.shape_cast %get3A_416 : vector<1x1x16xf32> to vector<16xf32>
        %add3A_418 = arith.constant 7 : i32
        %add3A_419 = arith.addi %mul3A_290, %add3A_418 : i32
        %get3A_420 = arith.constant 2 : i32
        %get3A_421 = arith.index_cast %get3A_420 : i32 to index
        %get3A_422 = arith.index_cast %add3A_419 : i32 to index
        %get3A_423 = arith.constant 16 : index
        %get3A_424 = tpu.vector_load %arg6[%get3A_421, %get3A_422, %get3A_423] {strides = array<i32>} : memref<4x200x64xf32, #tpu.memory_space<vmem>>, vector<1x1x16xf32>,
        %get3A_425 = vector.shape_cast %get3A_424 : vector<1x1x16xf32> to vector<16xf32>
        %add3A_426 = arith.addf %get3A_369, %get3A_377 : vector<16xf32>
        %add3A_427 = arith.addf %get3A_385, %get3A_393 : vector<16xf32>
        %add3A_428 = arith.addf %add3A_426, %add3A_427 : vector<16xf32>
        %add3A_429 = arith.addf %get3A_401, %get3A_409 : vector<16xf32>
        %add3A_430 = arith.addf %get3A_417, %get3A_425 : vector<16xf32>
        %add3A_431 = arith.addf %add3A_429, %add3A_430 : vector<16xf32>
        %add3A_432 = arith.addf %add3A_428, %add3A_431 : vector<16xf32>
        %add3A_433 = arith.addf %scan3A_286, %add3A_432 : vector<16xf32>
        %add3A_434 = arith.constant 0 : i32
        %add3A_435 = arith.addi %mul3A_290, %add3A_434 : i32
        %get3A_436 = arith.constant 2 : i32
        %get3A_437 = arith.index_cast %get3A_436 : i32 to index
        %get3A_438 = arith.index_cast %add3A_435 : i32 to index
        %get3A_439 = arith.constant 32 : index
        %get3A_440 = tpu.vector_load %arg6[%get3A_437, %get3A_438, %get3A_439] {strides = array<i32>} : memref<4x200x64xf32, #tpu.memory_space<vmem>>, vector<1x1x16xf32>,
        %get3A_441 = vector.shape_cast %get3A_440 : vector<1x1x16xf32> to vector<16xf32>
        %add3A_442 = arith.constant 1 : i32
        %add3A_443 = arith.addi %mul3A_290, %add3A_442 : i32
        %get3A_444 = arith.constant 2 : i32
        %get3A_445 = arith.index_cast %get3A_444 : i32 to index
        %get3A_446 = arith.index_cast %add3A_443 : i32 to index
        %get3A_447 = arith.constant 32 : index
        %get3A_448 = tpu.vector_load %arg6[%get3A_445, %get3A_446, %get3A_447] {strides = array<i32>} : memref<4x200x64xf32, #tpu.memory_space<vmem>>, vector<1x1x16xf32>,
        %get3A_449 = vector.shape_cast %get3A_448 : vector<1x1x16xf32> to vector<16xf32>
        %add3A_450 = arith.constant 2 : i32
        %add3A_451 = arith.addi %mul3A_290, %add3A_450 : i32
        %get3A_452 = arith.constant 2 : i32
        %get3A_453 = arith.index_cast %get3A_452 : i32 to index
        %get3A_454 = arith.index_cast %add3A_451 : i32 to index
        %get3A_455 = arith.constant 32 : index
        %get3A_456 = tpu.vector_load %arg6[%get3A_453, %get3A_454, %get3A_455] {strides = array<i32>} : memref<4x200x64xf32, #tpu.memory_space<vmem>>, vector<1x1x16xf32>,
        %get3A_457 = vector.shape_cast %get3A_456 : vector<1x1x16xf32> to vector<16xf32>
        %add3A_458 = arith.constant 3 : i32
        %add3A_459 = arith.addi %mul3A_290, %add3A_458 : i32
        %get3A_460 = arith.constant 2 : i32
        %get3A_461 = arith.index_cast %get3A_460 : i32 to index
        %get3A_462 = arith.index_cast %add3A_459 : i32 to index
        %get3A_463 = arith.constant 32 : index
        %get3A_464 = tpu.vector_load %arg6[%get3A_461, %get3A_462, %get3A_463] {strides = array<i32>} : memref<4x200x64xf32, #tpu.memory_space<vmem>>, vector<1x1x16xf32>,
        %get3A_465 = vector.shape_cast %get3A_464 : vector<1x1x16xf32> to vector<16xf32>
        %add3A_466 = arith.constant 4 : i32
        %add3A_467 = arith.addi %mul3A_290, %add3A_466 : i32
        %get3A_468 = arith.constant 2 : i32
        %get3A_469 = arith.index_cast %get3A_468 : i32 to index
        %get3A_470 = arith.index_cast %add3A_467 : i32 to index
        %get3A_471 = arith.constant 32 : index
        %get3A_472 = tpu.vector_load %arg6[%get3A_469, %get3A_470, %get3A_471] {strides = array<i32>} : memref<4x200x64xf32, #tpu.memory_space<vmem>>, vector<1x1x16xf32>,
        %get3A_473 = vector.shape_cast %get3A_472 : vector<1x1x16xf32> to vector<16xf32>
        %add3A_474 = arith.constant 5 : i32
        %add3A_475 = arith.addi %mul3A_290, %add3A_474 : i32
        %get3A_476 = arith.constant 2 : i32
        %get3A_477 = arith.index_cast %get3A_476 : i32 to index
        %get3A_478 = arith.index_cast %add3A_475 : i32 to index
        %get3A_479 = arith.constant 32 : index
        %get3A_480 = tpu.vector_load %arg6[%get3A_477, %get3A_478, %get3A_479] {strides = array<i32>} : memref<4x200x64xf32, #tpu.memory_space<vmem>>, vector<1x1x16xf32>,
        %get3A_481 = vector.shape_cast %get3A_480 : vector<1x1x16xf32> to vector<16xf32>
        %add3A_482 = arith.constant 6 : i32
        %add3A_483 = arith.addi %mul3A_290, %add3A_482 : i32
        %get3A_484 = arith.constant 2 : i32
        %get3A_485 = arith.index_cast %get3A_484 : i32 to index
        %get3A_486 = arith.index_cast %add3A_483 : i32 to index
        %get3A_487 = arith.constant 32 : index
        %get3A_488 = tpu.vector_load %arg6[%get3A_485, %get3A_486, %get3A_487] {strides = array<i32>} : memref<4x200x64xf32, #tpu.memory_space<vmem>>, vector<1x1x16xf32>,
        %get3A_489 = vector.shape_cast %get3A_488 : vector<1x1x16xf32> to vector<16xf32>
        %add3A_490 = arith.constant 7 : i32
        %add3A_491 = arith.addi %mul3A_290, %add3A_490 : i32
        %get3A_492 = arith.constant 2 : i32
        %get3A_493 = arith.index_cast %get3A_492 : i32 to index
        %get3A_494 = arith.index_cast %add3A_491 : i32 to index
        %get3A_495 = arith.constant 32 : index
        %get3A_496 = tpu.vector_load %arg6[%get3A_493, %get3A_494, %get3A_495] {strides = array<i32>} : memref<4x200x64xf32, #tpu.memory_space<vmem>>, vector<1x1x16xf32>,
        %get3A_497 = vector.shape_cast %get3A_496 : vector<1x1x16xf32> to vector<16xf32>
        %add3A_498 = arith.addf %get3A_441, %get3A_449 : vector<16xf32>
        %add3A_499 = arith.addf %get3A_457, %get3A_465 : vector<16xf32>
        %add3A_500 = arith.addf %add3A_498, %add3A_499 : vector<16xf32>
        %add3A_501 = arith.addf %get3A_473, %get3A_481 : vector<16xf32>
        %add3A_502 = arith.addf %get3A_489, %get3A_497 : vector<16xf32>
        %add3A_503 = arith.addf %add3A_501, %add3A_502 : vector<16xf32>
        %add3A_504 = arith.addf %add3A_500, %add3A_503 : vector<16xf32>
        %add3A_505 = arith.addf %scan3A_287, %add3A_504 : vector<16xf32>
        %add3A_506 = arith.constant 0 : i32
        %add3A_507 = arith.addi %mul3A_290, %add3A_506 : i32
        %get3A_508 = arith.constant 2 : i32
        %get3A_509 = arith.index_cast %get3A_508 : i32 to index
        %get3A_510 = arith.index_cast %add3A_507 : i32 to index
        %get3A_511 = arith.constant 48 : index
        %get3A_512 = tpu.vector_load %arg6[%get3A_509, %get3A_510, %get3A_511] {strides = array<i32>} : memref<4x200x64xf32, #tpu.memory_space<vmem>>, vector<1x1x16xf32>,
        %get3A_513 = vector.shape_cast %get3A_512 : vector<1x1x16xf32> to vector<16xf32>
        %add3A_514 = arith.constant 1 : i32
        %add3A_515 = arith.addi %mul3A_290, %add3A_514 : i32
        %get3A_516 = arith.constant 2 : i32
        %get3A_517 = arith.index_cast %get3A_516 : i32 to index
        %get3A_518 = arith.index_cast %add3A_515 : i32 to index
        %get3A_519 = arith.constant 48 : index
        %get3A_520 = tpu.vector_load %arg6[%get3A_517, %get3A_518, %get3A_519] {strides = array<i32>} : memref<4x200x64xf32, #tpu.memory_space<vmem>>, vector<1x1x16xf32>,
        %get3A_521 = vector.shape_cast %get3A_520 : vector<1x1x16xf32> to vector<16xf32>
        %add3A_522 = arith.constant 2 : i32
        %add3A_523 = arith.addi %mul3A_290, %add3A_522 : i32
        %get3A_524 = arith.constant 2 : i32
        %get3A_525 = arith.index_cast %get3A_524 : i32 to index
        %get3A_526 = arith.index_cast %add3A_523 : i32 to index
        %get3A_527 = arith.constant 48 : index
        %get3A_528 = tpu.vector_load %arg6[%get3A_525, %get3A_526, %get3A_527] {strides = array<i32>} : memref<4x200x64xf32, #tpu.memory_space<vmem>>, vector<1x1x16xf32>,
        %get3A_529 = vector.shape_cast %get3A_528 : vector<1x1x16xf32> to vector<16xf32>
        %add3A_530 = arith.constant 3 : i32
        %add3A_531 = arith.addi %mul3A_290, %add3A_530 : i32
        %get3A_532 = arith.constant 2 : i32
        %get3A_533 = arith.index_cast %get3A_532 : i32 to index
        %get3A_534 = arith.index_cast %add3A_531 : i32 to index
        %get3A_535 = arith.constant 48 : index
        %get3A_536 = tpu.vector_load %arg6[%get3A_533, %get3A_534, %get3A_535] {strides = array<i32>} : memref<4x200x64xf32, #tpu.memory_space<vmem>>, vector<1x1x16xf32>,
        %get3A_537 = vector.shape_cast %get3A_536 : vector<1x1x16xf32> to vector<16xf32>
        %add3A_538 = arith.constant 4 : i32
        %add3A_539 = arith.addi %mul3A_290, %add3A_538 : i32
        %get3A_540 = arith.constant 2 : i32
        %get3A_541 = arith.index_cast %get3A_540 : i32 to index
        %get3A_542 = arith.index_cast %add3A_539 : i32 to index
        %get3A_543 = arith.constant 48 : index
        %get3A_544 = tpu.vector_load %arg6[%get3A_541, %get3A_542, %get3A_543] {strides = array<i32>} : memref<4x200x64xf32, #tpu.memory_space<vmem>>, vector<1x1x16xf32>,
        %get3A_545 = vector.shape_cast %get3A_544 : vector<1x1x16xf32> to vector<16xf32>
        %add3A_546 = arith.constant 5 : i32
        %add3A_547 = arith.addi %mul3A_290, %add3A_546 : i32
        %get3A_548 = arith.constant 2 : i32
        %get3A_549 = arith.index_cast %get3A_548 : i32 to index
        %get3A_550 = arith.index_cast %add3A_547 : i32 to index
        %get3A_551 = arith.constant 48 : index
        %get3A_552 = tpu.vector_load %arg6[%get3A_549, %get3A_550, %get3A_551] {strides = array<i32>} : memref<4x200x64xf32, #tpu.memory_space<vmem>>, vector<1x1x16xf32>,
        %get3A_553 = vector.shape_cast %get3A_552 : vector<1x1x16xf32> to vector<16xf32>
        %add3A_554 = arith.constant 6 : i32
        %add3A_555 = arith.addi %mul3A_290, %add3A_554 : i32
        %get3A_556 = arith.constant 2 : i32
        %get3A_557 = arith.index_cast %get3A_556 : i32 to index
        %get3A_558 = arith.index_cast %add3A_555 : i32 to index
        %get3A_559 = arith.constant 48 : index
        %get3A_560 = tpu.vector_load %arg6[%get3A_557, %get3A_558, %get3A_559] {strides = array<i32>} : memref<4x200x64xf32, #tpu.memory_space<vmem>>, vector<1x1x16xf32>,
        %get3A_561 = vector.shape_cast %get3A_560 : vector<1x1x16xf32> to vector<16xf32>
        %add3A_562 = arith.constant 7 : i32
        %add3A_563 = arith.addi %mul3A_290, %add3A_562 : i32
        %get3A_564 = arith.constant 2 : i32
        %get3A_565 = arith.index_cast %get3A_564 : i32 to index
        %get3A_566 = arith.index_cast %add3A_563 : i32 to index
        %get3A_567 = arith.constant 48 : index
        %get3A_568 = tpu.vector_load %arg6[%get3A_565, %get3A_566, %get3A_567] {strides = array<i32>} : memref<4x200x64xf32, #tpu.memory_space<vmem>>, vector<1x1x16xf32>,
        %get3A_569 = vector.shape_cast %get3A_568 : vector<1x1x16xf32> to vector<16xf32>
        %add3A_570 = arith.addf %get3A_513, %get3A_521 : vector<16xf32>
        %add3A_571 = arith.addf %get3A_529, %get3A_537 : vector<16xf32>
        %add3A_572 = arith.addf %add3A_570, %add3A_571 : vector<16xf32>
        %add3A_573 = arith.addf %get3A_545, %get3A_553 : vector<16xf32>
        %add3A_574 = arith.addf %get3A_561, %get3A_569 : vector<16xf32>
        %add3A_575 = arith.addf %add3A_573, %add3A_574 : vector<16xf32>
        %add3A_576 = arith.addf %add3A_572, %add3A_575 : vector<16xf32>
        %add3A_577 = arith.addf %scan3A_288, %add3A_576 : vector<16xf32>
        scf.yield %add3A_361, %add3A_433, %add3A_505, %add3A_577 : vector<16xf32>, vector<16xf32>, vector<16xf32>, vector<16xf32>
      }
      %scan3A_186 = arith.constant 25 : i32
      %mul3A_187 = arith.constant 5.000000e-03 : f32
      %mul3A_188 = vector.broadcast %mul3A_187 : f32 to vector<16xf32>
      %mul3A_189 = arith.mulf %scan3A_185#0, %mul3A_188 : vector<16xf32>
      %swap3A_190 = arith.index_cast %add3A_167 : i32 to index
      %swap3A_191 = arith.constant 0 : index
      %swap3A_192 = tpu.vector_load %arg7[%swap3A_190, %swap3A_191] {strides = array<i32>} : memref<128x64xf32, #tpu.memory_space<vmem>>, vector<1x16xf32>,
      %swap3A_193 = vector.shape_cast %swap3A_192 : vector<1x16xf32> to vector<16xf32>
      %swap3A_194 = vector.shape_cast %mul3A_189 : vector<16xf32> to vector<1x16xf32>
      tpu.vector_store %arg7[%swap3A_190, %swap3A_191], %swap3A_194 {strides = array<i32>} : memref<128x64xf32, #tpu.memory_space<vmem>>, vector<1x16xf32>,
      %mul3A_195 = arith.constant 5.000000e-03 : f32
      %mul3A_196 = vector.broadcast %mul3A_195 : f32 to vector<16xf32>
      %mul3A_197 = arith.mulf %scan3A_185#1, %mul3A_196 : vector<16xf32>
      %swap3A_198 = arith.index_cast %add3A_167 : i32 to index
      %swap3A_199 = arith.constant 16 : index
      %swap3A_200 = tpu.vector_load %arg7[%swap3A_198, %swap3A_199] {strides = array<i32>} : memref<128x64xf32, #tpu.memory_space<vmem>>, vector<1x16xf32>,
      %swap3A_201 = vector.shape_cast %swap3A_200 : vector<1x16xf32> to vector<16xf32>
      %swap3A_202 = vector.shape_cast %mul3A_197 : vector<16xf32> to vector<1x16xf32>
      tpu.vector_store %arg7[%swap3A_198, %swap3A_199], %swap3A_202 {strides = array<i32>} : memref<128x64xf32, #tpu.memory_space<vmem>>, vector<1x16xf32>,
      %mul3A_203 = arith.constant 5.000000e-03 : f32
      %mul3A_204 = vector.broadcast %mul3A_203 : f32 to vector<16xf32>
      %mul3A_205 = arith.mulf %scan3A_185#2, %mul3A_204 : vector<16xf32>
      %swap3A_206 = arith.index_cast %add3A_167 : i32 to index
      %swap3A_207 = arith.constant 32 : index
      %swap3A_208 = tpu.vector_load %arg7[%swap3A_206, %swap3A_207] {strides = array<i32>} : memref<128x64xf32, #tpu.memory_space<vmem>>, vector<1x16xf32>,
      %swap3A_209 = vector.shape_cast %swap3A_208 : vector<1x16xf32> to vector<16xf32>
      %swap3A_210 = vector.shape_cast %mul3A_205 : vector<16xf32> to vector<1x16xf32>
      tpu.vector_store %arg7[%swap3A_206, %swap3A_207], %swap3A_210 {strides = array<i32>} : memref<128x64xf32, #tpu.memory_space<vmem>>, vector<1x16xf32>,
      %mul3A_211 = arith.constant 5.000000e-03 : f32
      %mul3A_212 = vector.broadcast %mul3A_211 : f32 to vector<16xf32>
      %mul3A_213 = arith.mulf %scan3A_185#3, %mul3A_212 : vector<16xf32>
      %swap3A_214 = arith.index_cast %add3A_167 : i32 to index
      %swap3A_215 = arith.constant 48 : index
      %swap3A_216 = tpu.vector_load %arg7[%swap3A_214, %swap3A_215] {strides = array<i32>} : memref<128x64xf32, #tpu.memory_space<vmem>>, vector<1x16xf32>,
      %swap3A_217 = vector.shape_cast %swap3A_216 : vector<1x16xf32> to vector<16xf32>
      %swap3A_218 = vector.shape_cast %mul3A_213 : vector<16xf32> to vector<1x16xf32>
      tpu.vector_store %arg7[%swap3A_214, %swap3A_215], %swap3A_218 {strides = array<i32>} : memref<128x64xf32, #tpu.memory_space<vmem>>, vector<1x16xf32>,
      %lt3A_219 = arith.constant 124 : i32
      %lt3A_220 = arith.cmpi slt, %add3A_167, %lt3A_219 : i32
      %convert_element_type3A_221 = arith.extui %lt3A_220 : i1 to i32
      %cond3A_222 = arith.constant 0 : i32
      %cond3A_223 = arith.cmpi ne, %convert_element_type3A_221, %cond3A_222 : i32
      scf.if %cond3A_223 {
        %add3A_284 = arith.constant 4 : i32
        %add3A_285 = arith.addi %add3A_167, %add3A_284 : i32
        %mul3A_286 = arith.constant 200 : i32
        %mul3A_287 = arith.muli %add3A_285, %mul3A_286 : i32
        %dma_start3A_288 = arith.constant 2 : i32
        %dma_start3A_289 = arith.constant 0 : i32
        %dma_start3A_290 = arith.constant 0 : i32
        %dma_start3A_291 = tpu.memref_slice %arg6[%dma_start3A_288, %dma_start3A_289, %dma_start3A_290] : memref<4x200x64xf32, #tpu.memory_space<vmem>> -> memref<1x200x64xf32, #tpu.memory_space<vmem>>
        %dma_start3A_292 = tpu.memref_squeeze %dma_start3A_291 : memref<1x200x64xf32, #tpu.memory_space<vmem>> -> memref<200x64xf32, #tpu.memory_space<vmem>>
        %dma_start3A_293 = tpu.memref_slice %arg5[%mul3A_287] : memref<25600xi32, #tpu.memory_space<vmem>> -> memref<200xi32, #tpu.memory_space<vmem>>
        %dma_start3A_294 = arith.constant 0 : i32
        %dma_start3A_295 = arith.constant 0 : i32
        %dma_start3A_296 = tpu.memref_slice %arg2[%dma_start3A_294, %dma_start3A_295] : memref<100000x64xf32, #tpu.memory_space<hbm>> -> memref<100000x64xf32, #tpu.memory_space<hbm>>
        tpu.enqueue_indirect_dma source(%dma_start3A_296 : memref<100000x64xf32, #tpu.memory_space<hbm>>) target(%dma_start3A_292 : memref<200x64xf32, #tpu.memory_space<vmem>>) offsets(%dma_start3A_293 : memref<200xi32, #tpu.memory_space<vmem>>) semaphore(%arg10 : memref<!tpu.dma_semaphore, #tpu.memory_space<semaphore_mem>>)
      } else {
      }
      %mul3A_224 = arith.constant 4 : i32
      %mul3A_225 = arith.muli %mul3A_224, %scan3A_49 : i32
      %add3A_226 = arith.constant 3 : i32
      %add3A_227 = arith.addi %mul3A_225, %add3A_226 : i32
      %mul3A_228 = arith.constant 200 : i32
      %mul3A_229 = arith.muli %add3A_227, %mul3A_228 : i32
      %dma_wait3A_230 = arith.constant 3 : i32
      %dma_wait3A_231 = arith.constant 0 : i32
      %dma_wait3A_232 = arith.constant 0 : i32
      %dma_wait3A_233 = tpu.memref_slice %arg6[%dma_wait3A_230, %dma_wait3A_231, %dma_wait3A_232] : memref<4x200x64xf32, #tpu.memory_space<vmem>> -> memref<1x200x64xf32, #tpu.memory_space<vmem>>
      %dma_wait3A_234 = tpu.memref_squeeze %dma_wait3A_233 : memref<1x200x64xf32, #tpu.memory_space<vmem>> -> memref<200x64xf32, #tpu.memory_space<vmem>>
      %dma_wait3A_235 = tpu.memref_slice %arg5[%mul3A_229] : memref<25600xi32, #tpu.memory_space<vmem>> -> memref<200xi32, #tpu.memory_space<vmem>>
      %dma_wait3A_236 = arith.constant 0 : i32
      %dma_wait3A_237 = arith.constant 0 : i32
      %dma_wait3A_238 = tpu.memref_slice %arg2[%dma_wait3A_236, %dma_wait3A_237] : memref<100000x64xf32, #tpu.memory_space<hbm>> -> memref<100000x64xf32, #tpu.memory_space<hbm>>
      tpu.wait_indirect_dma semaphore(%arg11 : memref<!tpu.dma_semaphore, #tpu.memory_space<semaphore_mem>>) src(%dma_wait3A_238 : memref<100000x64xf32, #tpu.memory_space<hbm>>) dst(%dma_wait3A_234 : memref<200x64xf32, #tpu.memory_space<vmem>>)
      %broadcast_in_dim3A_239 = arith.constant 0.000000e+00 : f32
      %broadcast_in_dim3A_240 = vector.broadcast %broadcast_in_dim3A_239 : f32 to vector<16xf32>
      %scan3A_241 = arith.constant 0 : i32
      %scan3A_242 = arith.constant 25 : i32
      %scan3A_243 = arith.addi %scan3A_241, %scan3A_242 : i32
      %scan3A_244 = arith.constant 1 : i32
      %scan3A_245:4 = scf.for %scan3A_284 = %scan3A_241 to %scan3A_243 step %scan3A_244 iter_args(%scan3A_285 = %broadcast_in_dim3A_240, %scan3A_286 = %broadcast_in_dim3A_240, %scan3A_287 = %broadcast_in_dim3A_240, %scan3A_288 = %broadcast_in_dim3A_240) -> (vector<16xf32>, vector<16xf32>, vector<16xf32>, vector<16xf32>)  : i32 {
        %mul3A_289 = arith.constant 8 : i32
        %mul3A_290 = arith.muli %scan3A_284, %mul3A_289 : i32
        %add3A_291 = arith.constant 0 : i32
        %add3A_292 = arith.addi %mul3A_290, %add3A_291 : i32
        %get3A = arith.constant 3 : i32
        %get3A_293 = arith.index_cast %get3A : i32 to index
        %get3A_294 = arith.index_cast %add3A_292 : i32 to index
        %get3A_295 = arith.constant 0 : index
        %get3A_296 = tpu.vector_load %arg6[%get3A_293, %get3A_294, %get3A_295] {strides = array<i32>} : memref<4x200x64xf32, #tpu.memory_space<vmem>>, vector<1x1x16xf32>,
        %get3A_297 = vector.shape_cast %get3A_296 : vector<1x1x16xf32> to vector<16xf32>
        %add3A_298 = arith.constant 1 : i32
        %add3A_299 = arith.addi %mul3A_290, %add3A_298 : i32
        %get3A_300 = arith.constant 3 : i32
        %get3A_301 = arith.index_cast %get3A_300 : i32 to index
        %get3A_302 = arith.index_cast %add3A_299 : i32 to index
        %get3A_303 = arith.constant 0 : index
        %get3A_304 = tpu.vector_load %arg6[%get3A_301, %get3A_302, %get3A_303] {strides = array<i32>} : memref<4x200x64xf32, #tpu.memory_space<vmem>>, vector<1x1x16xf32>,
        %get3A_305 = vector.shape_cast %get3A_304 : vector<1x1x16xf32> to vector<16xf32>
        %add3A_306 = arith.constant 2 : i32
        %add3A_307 = arith.addi %mul3A_290, %add3A_306 : i32
        %get3A_308 = arith.constant 3 : i32
        %get3A_309 = arith.index_cast %get3A_308 : i32 to index
        %get3A_310 = arith.index_cast %add3A_307 : i32 to index
        %get3A_311 = arith.constant 0 : index
        %get3A_312 = tpu.vector_load %arg6[%get3A_309, %get3A_310, %get3A_311] {strides = array<i32>} : memref<4x200x64xf32, #tpu.memory_space<vmem>>, vector<1x1x16xf32>,
        %get3A_313 = vector.shape_cast %get3A_312 : vector<1x1x16xf32> to vector<16xf32>
        %add3A_314 = arith.constant 3 : i32
        %add3A_315 = arith.addi %mul3A_290, %add3A_314 : i32
        %get3A_316 = arith.constant 3 : i32
        %get3A_317 = arith.index_cast %get3A_316 : i32 to index
        %get3A_318 = arith.index_cast %add3A_315 : i32 to index
        %get3A_319 = arith.constant 0 : index
        %get3A_320 = tpu.vector_load %arg6[%get3A_317, %get3A_318, %get3A_319] {strides = array<i32>} : memref<4x200x64xf32, #tpu.memory_space<vmem>>, vector<1x1x16xf32>,
        %get3A_321 = vector.shape_cast %get3A_320 : vector<1x1x16xf32> to vector<16xf32>
        %add3A_322 = arith.constant 4 : i32
        %add3A_323 = arith.addi %mul3A_290, %add3A_322 : i32
        %get3A_324 = arith.constant 3 : i32
        %get3A_325 = arith.index_cast %get3A_324 : i32 to index
        %get3A_326 = arith.index_cast %add3A_323 : i32 to index
        %get3A_327 = arith.constant 0 : index
        %get3A_328 = tpu.vector_load %arg6[%get3A_325, %get3A_326, %get3A_327] {strides = array<i32>} : memref<4x200x64xf32, #tpu.memory_space<vmem>>, vector<1x1x16xf32>,
        %get3A_329 = vector.shape_cast %get3A_328 : vector<1x1x16xf32> to vector<16xf32>
        %add3A_330 = arith.constant 5 : i32
        %add3A_331 = arith.addi %mul3A_290, %add3A_330 : i32
        %get3A_332 = arith.constant 3 : i32
        %get3A_333 = arith.index_cast %get3A_332 : i32 to index
        %get3A_334 = arith.index_cast %add3A_331 : i32 to index
        %get3A_335 = arith.constant 0 : index
        %get3A_336 = tpu.vector_load %arg6[%get3A_333, %get3A_334, %get3A_335] {strides = array<i32>} : memref<4x200x64xf32, #tpu.memory_space<vmem>>, vector<1x1x16xf32>,
        %get3A_337 = vector.shape_cast %get3A_336 : vector<1x1x16xf32> to vector<16xf32>
        %add3A_338 = arith.constant 6 : i32
        %add3A_339 = arith.addi %mul3A_290, %add3A_338 : i32
        %get3A_340 = arith.constant 3 : i32
        %get3A_341 = arith.index_cast %get3A_340 : i32 to index
        %get3A_342 = arith.index_cast %add3A_339 : i32 to index
        %get3A_343 = arith.constant 0 : index
        %get3A_344 = tpu.vector_load %arg6[%get3A_341, %get3A_342, %get3A_343] {strides = array<i32>} : memref<4x200x64xf32, #tpu.memory_space<vmem>>, vector<1x1x16xf32>,
        %get3A_345 = vector.shape_cast %get3A_344 : vector<1x1x16xf32> to vector<16xf32>
        %add3A_346 = arith.constant 7 : i32
        %add3A_347 = arith.addi %mul3A_290, %add3A_346 : i32
        %get3A_348 = arith.constant 3 : i32
        %get3A_349 = arith.index_cast %get3A_348 : i32 to index
        %get3A_350 = arith.index_cast %add3A_347 : i32 to index
        %get3A_351 = arith.constant 0 : index
        %get3A_352 = tpu.vector_load %arg6[%get3A_349, %get3A_350, %get3A_351] {strides = array<i32>} : memref<4x200x64xf32, #tpu.memory_space<vmem>>, vector<1x1x16xf32>,
        %get3A_353 = vector.shape_cast %get3A_352 : vector<1x1x16xf32> to vector<16xf32>
        %add3A_354 = arith.addf %get3A_297, %get3A_305 : vector<16xf32>
        %add3A_355 = arith.addf %get3A_313, %get3A_321 : vector<16xf32>
        %add3A_356 = arith.addf %add3A_354, %add3A_355 : vector<16xf32>
        %add3A_357 = arith.addf %get3A_329, %get3A_337 : vector<16xf32>
        %add3A_358 = arith.addf %get3A_345, %get3A_353 : vector<16xf32>
        %add3A_359 = arith.addf %add3A_357, %add3A_358 : vector<16xf32>
        %add3A_360 = arith.addf %add3A_356, %add3A_359 : vector<16xf32>
        %add3A_361 = arith.addf %scan3A_285, %add3A_360 : vector<16xf32>
        %add3A_362 = arith.constant 0 : i32
        %add3A_363 = arith.addi %mul3A_290, %add3A_362 : i32
        %get3A_364 = arith.constant 3 : i32
        %get3A_365 = arith.index_cast %get3A_364 : i32 to index
        %get3A_366 = arith.index_cast %add3A_363 : i32 to index
        %get3A_367 = arith.constant 16 : index
        %get3A_368 = tpu.vector_load %arg6[%get3A_365, %get3A_366, %get3A_367] {strides = array<i32>} : memref<4x200x64xf32, #tpu.memory_space<vmem>>, vector<1x1x16xf32>,
        %get3A_369 = vector.shape_cast %get3A_368 : vector<1x1x16xf32> to vector<16xf32>
        %add3A_370 = arith.constant 1 : i32
        %add3A_371 = arith.addi %mul3A_290, %add3A_370 : i32
        %get3A_372 = arith.constant 3 : i32
        %get3A_373 = arith.index_cast %get3A_372 : i32 to index
        %get3A_374 = arith.index_cast %add3A_371 : i32 to index
        %get3A_375 = arith.constant 16 : index
        %get3A_376 = tpu.vector_load %arg6[%get3A_373, %get3A_374, %get3A_375] {strides = array<i32>} : memref<4x200x64xf32, #tpu.memory_space<vmem>>, vector<1x1x16xf32>,
        %get3A_377 = vector.shape_cast %get3A_376 : vector<1x1x16xf32> to vector<16xf32>
        %add3A_378 = arith.constant 2 : i32
        %add3A_379 = arith.addi %mul3A_290, %add3A_378 : i32
        %get3A_380 = arith.constant 3 : i32
        %get3A_381 = arith.index_cast %get3A_380 : i32 to index
        %get3A_382 = arith.index_cast %add3A_379 : i32 to index
        %get3A_383 = arith.constant 16 : index
        %get3A_384 = tpu.vector_load %arg6[%get3A_381, %get3A_382, %get3A_383] {strides = array<i32>} : memref<4x200x64xf32, #tpu.memory_space<vmem>>, vector<1x1x16xf32>,
        %get3A_385 = vector.shape_cast %get3A_384 : vector<1x1x16xf32> to vector<16xf32>
        %add3A_386 = arith.constant 3 : i32
        %add3A_387 = arith.addi %mul3A_290, %add3A_386 : i32
        %get3A_388 = arith.constant 3 : i32
        %get3A_389 = arith.index_cast %get3A_388 : i32 to index
        %get3A_390 = arith.index_cast %add3A_387 : i32 to index
        %get3A_391 = arith.constant 16 : index
        %get3A_392 = tpu.vector_load %arg6[%get3A_389, %get3A_390, %get3A_391] {strides = array<i32>} : memref<4x200x64xf32, #tpu.memory_space<vmem>>, vector<1x1x16xf32>,
        %get3A_393 = vector.shape_cast %get3A_392 : vector<1x1x16xf32> to vector<16xf32>
        %add3A_394 = arith.constant 4 : i32
        %add3A_395 = arith.addi %mul3A_290, %add3A_394 : i32
        %get3A_396 = arith.constant 3 : i32
        %get3A_397 = arith.index_cast %get3A_396 : i32 to index
        %get3A_398 = arith.index_cast %add3A_395 : i32 to index
        %get3A_399 = arith.constant 16 : index
        %get3A_400 = tpu.vector_load %arg6[%get3A_397, %get3A_398, %get3A_399] {strides = array<i32>} : memref<4x200x64xf32, #tpu.memory_space<vmem>>, vector<1x1x16xf32>,
        %get3A_401 = vector.shape_cast %get3A_400 : vector<1x1x16xf32> to vector<16xf32>
        %add3A_402 = arith.constant 5 : i32
        %add3A_403 = arith.addi %mul3A_290, %add3A_402 : i32
        %get3A_404 = arith.constant 3 : i32
        %get3A_405 = arith.index_cast %get3A_404 : i32 to index
        %get3A_406 = arith.index_cast %add3A_403 : i32 to index
        %get3A_407 = arith.constant 16 : index
        %get3A_408 = tpu.vector_load %arg6[%get3A_405, %get3A_406, %get3A_407] {strides = array<i32>} : memref<4x200x64xf32, #tpu.memory_space<vmem>>, vector<1x1x16xf32>,
        %get3A_409 = vector.shape_cast %get3A_408 : vector<1x1x16xf32> to vector<16xf32>
        %add3A_410 = arith.constant 6 : i32
        %add3A_411 = arith.addi %mul3A_290, %add3A_410 : i32
        %get3A_412 = arith.constant 3 : i32
        %get3A_413 = arith.index_cast %get3A_412 : i32 to index
        %get3A_414 = arith.index_cast %add3A_411 : i32 to index
        %get3A_415 = arith.constant 16 : index
        %get3A_416 = tpu.vector_load %arg6[%get3A_413, %get3A_414, %get3A_415] {strides = array<i32>} : memref<4x200x64xf32, #tpu.memory_space<vmem>>, vector<1x1x16xf32>,
        %get3A_417 = vector.shape_cast %get3A_416 : vector<1x1x16xf32> to vector<16xf32>
        %add3A_418 = arith.constant 7 : i32
        %add3A_419 = arith.addi %mul3A_290, %add3A_418 : i32
        %get3A_420 = arith.constant 3 : i32
        %get3A_421 = arith.index_cast %get3A_420 : i32 to index
        %get3A_422 = arith.index_cast %add3A_419 : i32 to index
        %get3A_423 = arith.constant 16 : index
        %get3A_424 = tpu.vector_load %arg6[%get3A_421, %get3A_422, %get3A_423] {strides = array<i32>} : memref<4x200x64xf32, #tpu.memory_space<vmem>>, vector<1x1x16xf32>,
        %get3A_425 = vector.shape_cast %get3A_424 : vector<1x1x16xf32> to vector<16xf32>
        %add3A_426 = arith.addf %get3A_369, %get3A_377 : vector<16xf32>
        %add3A_427 = arith.addf %get3A_385, %get3A_393 : vector<16xf32>
        %add3A_428 = arith.addf %add3A_426, %add3A_427 : vector<16xf32>
        %add3A_429 = arith.addf %get3A_401, %get3A_409 : vector<16xf32>
        %add3A_430 = arith.addf %get3A_417, %get3A_425 : vector<16xf32>
        %add3A_431 = arith.addf %add3A_429, %add3A_430 : vector<16xf32>
        %add3A_432 = arith.addf %add3A_428, %add3A_431 : vector<16xf32>
        %add3A_433 = arith.addf %scan3A_286, %add3A_432 : vector<16xf32>
        %add3A_434 = arith.constant 0 : i32
        %add3A_435 = arith.addi %mul3A_290, %add3A_434 : i32
        %get3A_436 = arith.constant 3 : i32
        %get3A_437 = arith.index_cast %get3A_436 : i32 to index
        %get3A_438 = arith.index_cast %add3A_435 : i32 to index
        %get3A_439 = arith.constant 32 : index
        %get3A_440 = tpu.vector_load %arg6[%get3A_437, %get3A_438, %get3A_439] {strides = array<i32>} : memref<4x200x64xf32, #tpu.memory_space<vmem>>, vector<1x1x16xf32>,
        %get3A_441 = vector.shape_cast %get3A_440 : vector<1x1x16xf32> to vector<16xf32>
        %add3A_442 = arith.constant 1 : i32
        %add3A_443 = arith.addi %mul3A_290, %add3A_442 : i32
        %get3A_444 = arith.constant 3 : i32
        %get3A_445 = arith.index_cast %get3A_444 : i32 to index
        %get3A_446 = arith.index_cast %add3A_443 : i32 to index
        %get3A_447 = arith.constant 32 : index
        %get3A_448 = tpu.vector_load %arg6[%get3A_445, %get3A_446, %get3A_447] {strides = array<i32>} : memref<4x200x64xf32, #tpu.memory_space<vmem>>, vector<1x1x16xf32>,
        %get3A_449 = vector.shape_cast %get3A_448 : vector<1x1x16xf32> to vector<16xf32>
        %add3A_450 = arith.constant 2 : i32
        %add3A_451 = arith.addi %mul3A_290, %add3A_450 : i32
        %get3A_452 = arith.constant 3 : i32
        %get3A_453 = arith.index_cast %get3A_452 : i32 to index
        %get3A_454 = arith.index_cast %add3A_451 : i32 to index
        %get3A_455 = arith.constant 32 : index
        %get3A_456 = tpu.vector_load %arg6[%get3A_453, %get3A_454, %get3A_455] {strides = array<i32>} : memref<4x200x64xf32, #tpu.memory_space<vmem>>, vector<1x1x16xf32>,
        %get3A_457 = vector.shape_cast %get3A_456 : vector<1x1x16xf32> to vector<16xf32>
        %add3A_458 = arith.constant 3 : i32
        %add3A_459 = arith.addi %mul3A_290, %add3A_458 : i32
        %get3A_460 = arith.constant 3 : i32
        %get3A_461 = arith.index_cast %get3A_460 : i32 to index
        %get3A_462 = arith.index_cast %add3A_459 : i32 to index
        %get3A_463 = arith.constant 32 : index
        %get3A_464 = tpu.vector_load %arg6[%get3A_461, %get3A_462, %get3A_463] {strides = array<i32>} : memref<4x200x64xf32, #tpu.memory_space<vmem>>, vector<1x1x16xf32>,
        %get3A_465 = vector.shape_cast %get3A_464 : vector<1x1x16xf32> to vector<16xf32>
        %add3A_466 = arith.constant 4 : i32
        %add3A_467 = arith.addi %mul3A_290, %add3A_466 : i32
        %get3A_468 = arith.constant 3 : i32
        %get3A_469 = arith.index_cast %get3A_468 : i32 to index
        %get3A_470 = arith.index_cast %add3A_467 : i32 to index
        %get3A_471 = arith.constant 32 : index
        %get3A_472 = tpu.vector_load %arg6[%get3A_469, %get3A_470, %get3A_471] {strides = array<i32>} : memref<4x200x64xf32, #tpu.memory_space<vmem>>, vector<1x1x16xf32>,
        %get3A_473 = vector.shape_cast %get3A_472 : vector<1x1x16xf32> to vector<16xf32>
        %add3A_474 = arith.constant 5 : i32
        %add3A_475 = arith.addi %mul3A_290, %add3A_474 : i32
        %get3A_476 = arith.constant 3 : i32
        %get3A_477 = arith.index_cast %get3A_476 : i32 to index
        %get3A_478 = arith.index_cast %add3A_475 : i32 to index
        %get3A_479 = arith.constant 32 : index
        %get3A_480 = tpu.vector_load %arg6[%get3A_477, %get3A_478, %get3A_479] {strides = array<i32>} : memref<4x200x64xf32, #tpu.memory_space<vmem>>, vector<1x1x16xf32>,
        %get3A_481 = vector.shape_cast %get3A_480 : vector<1x1x16xf32> to vector<16xf32>
        %add3A_482 = arith.constant 6 : i32
        %add3A_483 = arith.addi %mul3A_290, %add3A_482 : i32
        %get3A_484 = arith.constant 3 : i32
        %get3A_485 = arith.index_cast %get3A_484 : i32 to index
        %get3A_486 = arith.index_cast %add3A_483 : i32 to index
        %get3A_487 = arith.constant 32 : index
        %get3A_488 = tpu.vector_load %arg6[%get3A_485, %get3A_486, %get3A_487] {strides = array<i32>} : memref<4x200x64xf32, #tpu.memory_space<vmem>>, vector<1x1x16xf32>,
        %get3A_489 = vector.shape_cast %get3A_488 : vector<1x1x16xf32> to vector<16xf32>
        %add3A_490 = arith.constant 7 : i32
        %add3A_491 = arith.addi %mul3A_290, %add3A_490 : i32
        %get3A_492 = arith.constant 3 : i32
        %get3A_493 = arith.index_cast %get3A_492 : i32 to index
        %get3A_494 = arith.index_cast %add3A_491 : i32 to index
        %get3A_495 = arith.constant 32 : index
        %get3A_496 = tpu.vector_load %arg6[%get3A_493, %get3A_494, %get3A_495] {strides = array<i32>} : memref<4x200x64xf32, #tpu.memory_space<vmem>>, vector<1x1x16xf32>,
        %get3A_497 = vector.shape_cast %get3A_496 : vector<1x1x16xf32> to vector<16xf32>
        %add3A_498 = arith.addf %get3A_441, %get3A_449 : vector<16xf32>
        %add3A_499 = arith.addf %get3A_457, %get3A_465 : vector<16xf32>
        %add3A_500 = arith.addf %add3A_498, %add3A_499 : vector<16xf32>
        %add3A_501 = arith.addf %get3A_473, %get3A_481 : vector<16xf32>
        %add3A_502 = arith.addf %get3A_489, %get3A_497 : vector<16xf32>
        %add3A_503 = arith.addf %add3A_501, %add3A_502 : vector<16xf32>
        %add3A_504 = arith.addf %add3A_500, %add3A_503 : vector<16xf32>
        %add3A_505 = arith.addf %scan3A_287, %add3A_504 : vector<16xf32>
        %add3A_506 = arith.constant 0 : i32
        %add3A_507 = arith.addi %mul3A_290, %add3A_506 : i32
        %get3A_508 = arith.constant 3 : i32
        %get3A_509 = arith.index_cast %get3A_508 : i32 to index
        %get3A_510 = arith.index_cast %add3A_507 : i32 to index
        %get3A_511 = arith.constant 48 : index
        %get3A_512 = tpu.vector_load %arg6[%get3A_509, %get3A_510, %get3A_511] {strides = array<i32>} : memref<4x200x64xf32, #tpu.memory_space<vmem>>, vector<1x1x16xf32>,
        %get3A_513 = vector.shape_cast %get3A_512 : vector<1x1x16xf32> to vector<16xf32>
        %add3A_514 = arith.constant 1 : i32
        %add3A_515 = arith.addi %mul3A_290, %add3A_514 : i32
        %get3A_516 = arith.constant 3 : i32
        %get3A_517 = arith.index_cast %get3A_516 : i32 to index
        %get3A_518 = arith.index_cast %add3A_515 : i32 to index
        %get3A_519 = arith.constant 48 : index
        %get3A_520 = tpu.vector_load %arg6[%get3A_517, %get3A_518, %get3A_519] {strides = array<i32>} : memref<4x200x64xf32, #tpu.memory_space<vmem>>, vector<1x1x16xf32>,
        %get3A_521 = vector.shape_cast %get3A_520 : vector<1x1x16xf32> to vector<16xf32>
        %add3A_522 = arith.constant 2 : i32
        %add3A_523 = arith.addi %mul3A_290, %add3A_522 : i32
        %get3A_524 = arith.constant 3 : i32
        %get3A_525 = arith.index_cast %get3A_524 : i32 to index
        %get3A_526 = arith.index_cast %add3A_523 : i32 to index
        %get3A_527 = arith.constant 48 : index
        %get3A_528 = tpu.vector_load %arg6[%get3A_525, %get3A_526, %get3A_527] {strides = array<i32>} : memref<4x200x64xf32, #tpu.memory_space<vmem>>, vector<1x1x16xf32>,
        %get3A_529 = vector.shape_cast %get3A_528 : vector<1x1x16xf32> to vector<16xf32>
        %add3A_530 = arith.constant 3 : i32
        %add3A_531 = arith.addi %mul3A_290, %add3A_530 : i32
        %get3A_532 = arith.constant 3 : i32
        %get3A_533 = arith.index_cast %get3A_532 : i32 to index
        %get3A_534 = arith.index_cast %add3A_531 : i32 to index
        %get3A_535 = arith.constant 48 : index
        %get3A_536 = tpu.vector_load %arg6[%get3A_533, %get3A_534, %get3A_535] {strides = array<i32>} : memref<4x200x64xf32, #tpu.memory_space<vmem>>, vector<1x1x16xf32>,
        %get3A_537 = vector.shape_cast %get3A_536 : vector<1x1x16xf32> to vector<16xf32>
        %add3A_538 = arith.constant 4 : i32
        %add3A_539 = arith.addi %mul3A_290, %add3A_538 : i32
        %get3A_540 = arith.constant 3 : i32
        %get3A_541 = arith.index_cast %get3A_540 : i32 to index
        %get3A_542 = arith.index_cast %add3A_539 : i32 to index
        %get3A_543 = arith.constant 48 : index
        %get3A_544 = tpu.vector_load %arg6[%get3A_541, %get3A_542, %get3A_543] {strides = array<i32>} : memref<4x200x64xf32, #tpu.memory_space<vmem>>, vector<1x1x16xf32>,
        %get3A_545 = vector.shape_cast %get3A_544 : vector<1x1x16xf32> to vector<16xf32>
        %add3A_546 = arith.constant 5 : i32
        %add3A_547 = arith.addi %mul3A_290, %add3A_546 : i32
        %get3A_548 = arith.constant 3 : i32
        %get3A_549 = arith.index_cast %get3A_548 : i32 to index
        %get3A_550 = arith.index_cast %add3A_547 : i32 to index
        %get3A_551 = arith.constant 48 : index
        %get3A_552 = tpu.vector_load %arg6[%get3A_549, %get3A_550, %get3A_551] {strides = array<i32>} : memref<4x200x64xf32, #tpu.memory_space<vmem>>, vector<1x1x16xf32>,
        %get3A_553 = vector.shape_cast %get3A_552 : vector<1x1x16xf32> to vector<16xf32>
        %add3A_554 = arith.constant 6 : i32
        %add3A_555 = arith.addi %mul3A_290, %add3A_554 : i32
        %get3A_556 = arith.constant 3 : i32
        %get3A_557 = arith.index_cast %get3A_556 : i32 to index
        %get3A_558 = arith.index_cast %add3A_555 : i32 to index
        %get3A_559 = arith.constant 48 : index
        %get3A_560 = tpu.vector_load %arg6[%get3A_557, %get3A_558, %get3A_559] {strides = array<i32>} : memref<4x200x64xf32, #tpu.memory_space<vmem>>, vector<1x1x16xf32>,
        %get3A_561 = vector.shape_cast %get3A_560 : vector<1x1x16xf32> to vector<16xf32>
        %add3A_562 = arith.constant 7 : i32
        %add3A_563 = arith.addi %mul3A_290, %add3A_562 : i32
        %get3A_564 = arith.constant 3 : i32
        %get3A_565 = arith.index_cast %get3A_564 : i32 to index
        %get3A_566 = arith.index_cast %add3A_563 : i32 to index
        %get3A_567 = arith.constant 48 : index
        %get3A_568 = tpu.vector_load %arg6[%get3A_565, %get3A_566, %get3A_567] {strides = array<i32>} : memref<4x200x64xf32, #tpu.memory_space<vmem>>, vector<1x1x16xf32>,
        %get3A_569 = vector.shape_cast %get3A_568 : vector<1x1x16xf32> to vector<16xf32>
        %add3A_570 = arith.addf %get3A_513, %get3A_521 : vector<16xf32>
        %add3A_571 = arith.addf %get3A_529, %get3A_537 : vector<16xf32>
        %add3A_572 = arith.addf %add3A_570, %add3A_571 : vector<16xf32>
        %add3A_573 = arith.addf %get3A_545, %get3A_553 : vector<16xf32>
        %add3A_574 = arith.addf %get3A_561, %get3A_569 : vector<16xf32>
        %add3A_575 = arith.addf %add3A_573, %add3A_574 : vector<16xf32>
        %add3A_576 = arith.addf %add3A_572, %add3A_575 : vector<16xf32>
        %add3A_577 = arith.addf %scan3A_288, %add3A_576 : vector<16xf32>
        scf.yield %add3A_361, %add3A_433, %add3A_505, %add3A_577 : vector<16xf32>, vector<16xf32>, vector<16xf32>, vector<16xf32>
      }
      %scan3A_246 = arith.constant 25 : i32
      %mul3A_247 = arith.constant 5.000000e-03 : f32
      %mul3A_248 = vector.broadcast %mul3A_247 : f32 to vector<16xf32>
      %mul3A_249 = arith.mulf %scan3A_245#0, %mul3A_248 : vector<16xf32>
      %swap3A_250 = arith.index_cast %add3A_227 : i32 to index
      %swap3A_251 = arith.constant 0 : index
      %swap3A_252 = tpu.vector_load %arg7[%swap3A_250, %swap3A_251] {strides = array<i32>} : memref<128x64xf32, #tpu.memory_space<vmem>>, vector<1x16xf32>,
      %swap3A_253 = vector.shape_cast %swap3A_252 : vector<1x16xf32> to vector<16xf32>
      %swap3A_254 = vector.shape_cast %mul3A_249 : vector<16xf32> to vector<1x16xf32>
      tpu.vector_store %arg7[%swap3A_250, %swap3A_251], %swap3A_254 {strides = array<i32>} : memref<128x64xf32, #tpu.memory_space<vmem>>, vector<1x16xf32>,
      %mul3A_255 = arith.constant 5.000000e-03 : f32
      %mul3A_256 = vector.broadcast %mul3A_255 : f32 to vector<16xf32>
      %mul3A_257 = arith.mulf %scan3A_245#1, %mul3A_256 : vector<16xf32>
      %swap3A_258 = arith.index_cast %add3A_227 : i32 to index
      %swap3A_259 = arith.constant 16 : index
      %swap3A_260 = tpu.vector_load %arg7[%swap3A_258, %swap3A_259] {strides = array<i32>} : memref<128x64xf32, #tpu.memory_space<vmem>>, vector<1x16xf32>,
      %swap3A_261 = vector.shape_cast %swap3A_260 : vector<1x16xf32> to vector<16xf32>
      %swap3A_262 = vector.shape_cast %mul3A_257 : vector<16xf32> to vector<1x16xf32>
      tpu.vector_store %arg7[%swap3A_258, %swap3A_259], %swap3A_262 {strides = array<i32>} : memref<128x64xf32, #tpu.memory_space<vmem>>, vector<1x16xf32>,
      %mul3A_263 = arith.constant 5.000000e-03 : f32
      %mul3A_264 = vector.broadcast %mul3A_263 : f32 to vector<16xf32>
      %mul3A_265 = arith.mulf %scan3A_245#2, %mul3A_264 : vector<16xf32>
      %swap3A_266 = arith.index_cast %add3A_227 : i32 to index
      %swap3A_267 = arith.constant 32 : index
      %swap3A_268 = tpu.vector_load %arg7[%swap3A_266, %swap3A_267] {strides = array<i32>} : memref<128x64xf32, #tpu.memory_space<vmem>>, vector<1x16xf32>,
      %swap3A_269 = vector.shape_cast %swap3A_268 : vector<1x16xf32> to vector<16xf32>
      %swap3A_270 = vector.shape_cast %mul3A_265 : vector<16xf32> to vector<1x16xf32>
      tpu.vector_store %arg7[%swap3A_266, %swap3A_267], %swap3A_270 {strides = array<i32>} : memref<128x64xf32, #tpu.memory_space<vmem>>, vector<1x16xf32>,
      %mul3A_271 = arith.constant 5.000000e-03 : f32
      %mul3A_272 = vector.broadcast %mul3A_271 : f32 to vector<16xf32>
      %mul3A_273 = arith.mulf %scan3A_245#3, %mul3A_272 : vector<16xf32>
      %swap3A_274 = arith.index_cast %add3A_227 : i32 to index
      %swap3A_275 = arith.constant 48 : index
      %swap3A_276 = tpu.vector_load %arg7[%swap3A_274, %swap3A_275] {strides = array<i32>} : memref<128x64xf32, #tpu.memory_space<vmem>>, vector<1x16xf32>,
      %swap3A_277 = vector.shape_cast %swap3A_276 : vector<1x16xf32> to vector<16xf32>
      %swap3A_278 = vector.shape_cast %mul3A_273 : vector<16xf32> to vector<1x16xf32>
      tpu.vector_store %arg7[%swap3A_274, %swap3A_275], %swap3A_278 {strides = array<i32>} : memref<128x64xf32, #tpu.memory_space<vmem>>, vector<1x16xf32>,
      %lt3A_279 = arith.constant 124 : i32
      %lt3A_280 = arith.cmpi slt, %add3A_227, %lt3A_279 : i32
      %convert_element_type3A_281 = arith.extui %lt3A_280 : i1 to i32
      %cond3A_282 = arith.constant 0 : i32
      %cond3A_283 = arith.cmpi ne, %convert_element_type3A_281, %cond3A_282 : i32
      scf.if %cond3A_283 {
        %add3A_284 = arith.constant 4 : i32
        %add3A_285 = arith.addi %add3A_227, %add3A_284 : i32
        %mul3A_286 = arith.constant 200 : i32
        %mul3A_287 = arith.muli %add3A_285, %mul3A_286 : i32
        %dma_start3A_288 = arith.constant 3 : i32
        %dma_start3A_289 = arith.constant 0 : i32
        %dma_start3A_290 = arith.constant 0 : i32
        %dma_start3A_291 = tpu.memref_slice %arg6[%dma_start3A_288, %dma_start3A_289, %dma_start3A_290] : memref<4x200x64xf32, #tpu.memory_space<vmem>> -> memref<1x200x64xf32, #tpu.memory_space<vmem>>
        %dma_start3A_292 = tpu.memref_squeeze %dma_start3A_291 : memref<1x200x64xf32, #tpu.memory_space<vmem>> -> memref<200x64xf32, #tpu.memory_space<vmem>>
        %dma_start3A_293 = tpu.memref_slice %arg5[%mul3A_287] : memref<25600xi32, #tpu.memory_space<vmem>> -> memref<200xi32, #tpu.memory_space<vmem>>
        %dma_start3A_294 = arith.constant 0 : i32
        %dma_start3A_295 = arith.constant 0 : i32
        %dma_start3A_296 = tpu.memref_slice %arg2[%dma_start3A_294, %dma_start3A_295] : memref<100000x64xf32, #tpu.memory_space<hbm>> -> memref<100000x64xf32, #tpu.memory_space<hbm>>
        tpu.enqueue_indirect_dma source(%dma_start3A_296 : memref<100000x64xf32, #tpu.memory_space<hbm>>) target(%dma_start3A_292 : memref<200x64xf32, #tpu.memory_space<vmem>>) offsets(%dma_start3A_293 : memref<200xi32, #tpu.memory_space<vmem>>) semaphore(%arg11 : memref<!tpu.dma_semaphore, #tpu.memory_space<semaphore_mem>>)
      } else {
      }
    }
    %scan3A_46 = arith.constant 32 : i32
    %mul3A_47 = arith.constant 128 : i32
    %mul3A_48 = arith.muli %add3A, %mul3A_47 : i32
    "tpu.region"() ({
      %run_scoped3A = tpu.sem_alloc : memref<!tpu.dma_semaphore, #tpu.memory_space<semaphore_mem>>
      %dma_start3A_49 = arith.constant 0 : i32
      %dma_start3A_50 = tpu.memref_slice %arg4[%mul3A_48, %dma_start3A_49] : memref<4096x64xf32, #tpu.memory_space<hbm>> -> memref<128x64xf32, #tpu.memory_space<hbm>>
      %dma_start3A_51 = arith.constant 0 : i32
      %dma_start3A_52 = tpu.memref_slice %arg4[%mul3A_48, %dma_start3A_51] : memref<4096x64xf32, #tpu.memory_space<hbm>> -> memref<128x64xf32, #tpu.memory_space<hbm>>
      tpu.enqueue_dma source(%arg7 : memref<128x64xf32, #tpu.memory_space<vmem>>) target(%dma_start3A_52 : memref<128x64xf32, #tpu.memory_space<hbm>>) target_semaphore(%run_scoped3A : memref<!tpu.dma_semaphore, #tpu.memory_space<semaphore_mem>>)
      %dma_wait3A = arith.constant 0 : i32
      %dma_wait3A_53 = tpu.memref_slice %arg4[%mul3A_48, %dma_wait3A] : memref<4096x64xf32, #tpu.memory_space<hbm>> -> memref<128x64xf32, #tpu.memory_space<hbm>>
      %dma_wait3A_54 = arith.constant 0 : i32
      %dma_wait3A_55 = tpu.memref_slice %arg4[%mul3A_48, %dma_wait3A_54] : memref<4096x64xf32, #tpu.memory_space<hbm>> -> memref<128x64xf32, #tpu.memory_space<hbm>>
      tpu.wait_dma2 semaphore(%run_scoped3A : memref<!tpu.dma_semaphore, #tpu.memory_space<semaphore_mem>>) src(%arg7 : memref<128x64xf32, #tpu.memory_space<vmem>>) dst(%dma_wait3A_55 : memref<128x64xf32, #tpu.memory_space<hbm>>)
      tpu.yield
    }) : () -> ()
    return
  }
}

module attributes {stable_mosaic.version = 14 : i64} {
  func.func @body(%arg0: i32, %arg1: memref<64x12800xf32, #tpu.memory_space<vmem>>, %arg2: memref<6400x128xf32, #tpu.memory_space<vmem>>) attributes {dimension_semantics = [#tpu.dimension_semantics<arbitrary>], iteration_bounds = array<i64: 8>, scalar_prefetch = 0 : i64, scratch_operands = 0 : i64, tpu.core_type = #tpu.core_type<tc>, window_params = [{transform_indices = @transform_0, window_bounds = array<i64: 64, 12800>}, {transform_indices = @transform_1, window_bounds = array<i64: 6400, 128>}]} {
    %get3A = arith.constant 0 : index
    %get3A_0 = arith.constant 0 : index
    %get3A_1 = vector.load %arg1[%get3A, %get3A_0] : memref<64x12800xf32, #tpu.memory_space<vmem>>, vector<64x12800xf32>
    %transpose3A = tpu.transpose %get3A_1, [1, 0] : vector<64x12800xf32> -> vector<12800x64xf32>
    %broadcast_in_dim3A = arith.constant 0.000000e+00 : f32
    %broadcast_in_dim3A_2 = vector.broadcast %broadcast_in_dim3A : f32 to vector<12800x64xf32>
    %concatenate3A = tpu.concatenate %transpose3A, %broadcast_in_dim3A_2 in 1 : vector<12800x64xf32>, vector<12800x64xf32> -> vector<12800x128xf32>
    %reshape3A = vector.shape_cast %concatenate3A : vector<12800x128xf32> to vector<6400x256xf32>
    %slice3A = vector.extract_strided_slice %reshape3A {offsets = [0, 0], sizes = [6400, 64], strides = [1, 1]} : vector<6400x256xf32> to vector<6400x64xf32>
    %slice3A_3 = vector.extract_strided_slice %reshape3A {offsets = [0, 128], sizes = [6400, 64], strides = [1, 1]} : vector<6400x256xf32> to vector<6400x64xf32>
    %concatenate3A_4 = tpu.concatenate %slice3A, %slice3A_3 in 1 : vector<6400x64xf32>, vector<6400x64xf32> -> vector<6400x128xf32>
    %swap3A = arith.constant 0 : index
    %swap3A_5 = arith.constant 0 : index
    %swap3A_6 = vector.load %arg2[%swap3A, %swap3A_5] : memref<6400x128xf32, #tpu.memory_space<vmem>>, vector<6400x128xf32>
    tpu.vector_store %arg2[%swap3A, %swap3A_5], %concatenate3A_4 {strides = array<i32>} : memref<6400x128xf32, #tpu.memory_space<vmem>>, vector<6400x128xf32>,
    return
  }
  func.func @transform_0(%arg0: i32) -> (i32, i32) {
    %c0_i32 = arith.constant 0 : i32
    %c0_i32_0 = arith.constant 0 : i32
    return %c0_i32, %arg0 : i32, i32
  }
  func.func @transform_1(%arg0: i32) -> (i32, i32) {
    %c0_i32 = arith.constant 0 : i32
    %c0_i32_0 = arith.constant 0 : i32
    return %arg0, %c0_i32 : i32, i32
  }
}

module attributes {stable_mosaic.version = 14 : i64} {
  func.func @body(%arg0: memref<4096x64xf32, #tpu.memory_space<vmem>>, %arg1: memref<64x7xf32, #tpu.memory_space<vmem>>, %arg2: memref<1x7xf32, #tpu.memory_space<vmem>>, %arg3: memref<4096x7xf32, #tpu.memory_space<vmem>>) attributes {dimension_semantics = [], scalar_prefetch = 0 : i64, scratch_operands = 0 : i64, tpu.core_type = #tpu.core_type<tc>} {
    %get3A = arith.constant 0 : index
    %get3A_0 = arith.constant 0 : index
    %get3A_1 = vector.load %arg0[%get3A, %get3A_0] : memref<4096x64xf32, #tpu.memory_space<vmem>>, vector<4096x64xf32>
    %get3A_2 = arith.constant 0 : index
    %get3A_3 = arith.constant 0 : index
    %get3A_4 = vector.load %arg1[%get3A_2, %get3A_3] : memref<64x7xf32, #tpu.memory_space<vmem>>, vector<64x7xf32>
    %dot_general3A = arith.constant dense<0.000000e+00> : vector<4096x7xf32>
    %dot_general3A_5 = tpu.matmul %get3A_1, %get3A_4, %dot_general3A {dimension_numbers = #tpu.dot_dimension_numbers<[1], [0], [0], [1], [0, 0, 1, 1], [], []>, transpose_lhs_hint = false} : vector<4096x64xf32>, vector<64x7xf32>, vector<4096x7xf32> -> vector<4096x7xf32>
    %get3A_6 = arith.constant 0 : index
    %get3A_7 = arith.constant 0 : index
    %get3A_8 = vector.load %arg2[%get3A_6, %get3A_7] : memref<1x7xf32, #tpu.memory_space<vmem>>, vector<1x7xf32>
    %add3A = vector.broadcast %get3A_8 : vector<1x7xf32> to vector<4096x7xf32>
    %add3A_9 = arith.addf %dot_general3A_5, %add3A : vector<4096x7xf32>
    %max3A = arith.constant 0.000000e+00 : f32
    %max3A_10 = vector.broadcast %max3A : f32 to vector<4096x7xf32>
    %max3A_11 = arith.maximumf %add3A_9, %max3A_10 : vector<4096x7xf32>
    %swap3A = arith.constant 0 : index
    %swap3A_12 = arith.constant 0 : index
    %swap3A_13 = vector.load %arg3[%swap3A, %swap3A_12] : memref<4096x7xf32, #tpu.memory_space<vmem>>, vector<4096x7xf32>
    tpu.vector_store %arg3[%swap3A, %swap3A_12], %max3A_11 {strides = array<i32>} : memref<4096x7xf32, #tpu.memory_space<vmem>>, vector<4096x7xf32>,
    return
  }
}

</mosaic_0001>

<sc_bundles>
// kernel: kernel.5.cloned.1.call-start
scs
__scs_entry_jumppad:
0x0: {  	(pc) =	sbr.rel $0x88, $3  }
0x1: {  	(tag) =	ssettag $0x0;
	lr =	simm.s32 $0x1  }
0x2: {  	[smem:$0x3F9D] =	sst lr;
	_ =	strace $0xD0000000  }
0x3: {  	_ = 	snop  }
0x4: {  	_ = 	snop  }
0x5: {  	_ = 	snop  }
0x6: {  	_ = 	snop  }
0x7: {  	_ = 	snop  }
__scs_overlays_trampoline_lowered:
0x8: {  	[smem:$0x3FAC] =	sst s0  }
0x9: {  	[smem:$0x3FAD] =	sst s1  }
0xa: {  	[smem:$0x3FAE] =	sst s2  }
0xb: {  	[smem:$0x3FAF] =	sst s3  }
0xc: {  	[smem:$0x3FB0] =	sst s4  }
0xd: {  	[smem:$0x3FB1] =	sst s5  }
0xe: {  	[smem:$0x3FB2] =	sst s6  }
0xf: {  	[smem:$0x3FB3] =	sst s7  }
0x10: {  	[smem:$0x3FB4] =	sst s8  }
0x11: {  	[smem:$0x3FB5] =	sst s9;
	s0 =	simm.s32 @!p0 $0x0  }
0x12: {  	s1 =	sld [smem:$0x3F9B];
	s0 =	simm.s32 @p0 $0x1  }
0x13: {  	[smem:$0x3FB6] =	sst s0;
	s0 =	simm.s32 @!p1 $0x0  }
0x14: {  	s2 =	sld [smem:$0x3F9A];
	s0 =	simm.s32 @p1 $0x1  }
0x15: {  	[smem:$0x3FB7] =	sst s0;
	s0 =	simm.s32 @!p2 $0x0  }
0x16: {  	s3 =	sld [smem:$0x3FDB];
	s0 =	simm.s32 @p2 $0x1  }
0x17: {  	s4 =	simm.s32 $0x1BF5;
	[smem:$0x3FB9] =	sst s0  }
0x18: {  	s0 =	sld [smem:$0x3F9C];
	_ =	swait.ge [sflag:s4], $0x0  }
0x19: {  	s7 =	sld [smem:$0x3F9D]  }
0x1a: {  	s8 =	sadd.s32 $0xFFFFE003, lr  }
0x1b: {  	s9 =	sadd.s32 $0xFFFFFEF7, lr;
	s5 =	simm.s32 $0xFFFFFFFF;
	p2 =	slt.u32 s8, $0xFFFFF086  }
0x1c: {  	p1 =	slt.u32 s9, $0xF7A;
	s5 =	simm.s32 @!p2 $0x0  }
0x1d: {  	s5 =	simm.s32 @p1 $0x1;
	p0 =	seq.s32 s7, s2  }
0x1e: {  	s7 =	smul.u32 @!p0 $0xF7A, s2;
	p2 =	seq.s32 @!p0 s5, $0x0  }
0x1f: {  	s9 =	smul.u32 $0xF7A, s1;
	s8 =	simm.s32 @!p0 $0x1BF5;
	p2 =	por !p2, p0  }
0x20: {  	[sflag:s8] =	ssyncset.s32 @!p0 $0xFFFFF086;
	s6 =	sadd.s32 @!p0 s3, s7;
	s7 =	simm.s32 @!p0 $0x108  }
0x21: {  	s3 =	sadd.s32 s3, s9;
	s6 =	sadd.s32 @!p0 $0x88, s6;
	s7 =	simm.s32 @p2 $0x1082  }
0x22: {  	[simem:s7], [sflag:s8] =	dma.local @!p0 [hbm:s6], $0xF7A  }
0x23: {  	s9 =	sor.u32 $0xD0000000, s2;
	s6 =	simm.s32 $0x108;
	_ =	swait.ge @!p0 [sflag:s8], $0x0  }
0x24: {  	s3 =	sadd.s32 $0x88, s3;
	s6 =	simm.s32 @!p1 $0x1082;
	[sflag:s4] =	ssyncset.s32 $0xFFFFF086  }
0x25: {  	[simem:s6], [sflag:s4] =	dma.local [hbm:s3], $0xF7A  }
0x26: {  	[smem:$0x3F9D] =	sst s1;
	(tag) =	ssettag s2;
	_ =	strace s9  }
0x27: {  	s1 =	sld [smem:$0x3FAD]  }
0x28: {  	s2 =	sld [smem:$0x3FAE]  }
0x29: {  	s4 =	sld [smem:$0x3FB0]  }
0x2a: {  	p0 =	seq.s32 s5, $0x0;
	s5 =	sld [smem:$0x3FB1]  }
0x2b: {  	s6 =	sld [smem:$0x3FB2]  }
0x2c: {  	s7 =	sld [smem:$0x3FB3]  }
0x2d: {  	s3 =	simm.s32 $0x108;
	s8 =	sld [smem:$0x3FB4]  }
0x2e: {  	s3 =	simm.s32 @!p0 $0x1082;
	s9 =	sld [smem:$0x3FB5]  }
0x2f: {  	lr =	sadd.s32 s0, s3;
	s0 =	sld [smem:$0x3FAC]  }
0x30: {  	s3 =	sld [smem:$0x3FAF]  }
0x31: {  	[smem:$0x3FB8] =	sst s10  }
0x32: {  	s10 =	sld [smem:$0x3FB6];
	_ =	sdelay $0x3  }
0x33: {  	p0 =	seq.s32 s10, $0x1;
	s10 =	sld [smem:$0x3FB8];
	_ =	sdelay $0x3  }
0x34: {  	[smem:$0x3FB8] =	sst s10  }
0x35: {  	s10 =	sld [smem:$0x3FB7];
	_ =	sdelay $0x3  }
0x36: {  	p1 =	seq.s32 s10, $0x1;
	s10 =	sld [smem:$0x3FB8];
	_ =	sdelay $0x3  }
0x37: {  	[smem:$0x3FB8] =	sst s10  }
0x38: {  	s10 =	sld [smem:$0x3FB9]  }
0x39: {  	_ = 	snop;
	(pc) =	sbr.ind lr, $3  }
0x3a: {  	_ = 	snop  }
0x3b: {  	_ = 	snop  }
0x3c: {  	p2 =	seq.s32 s10, $0x1;
	s10 =	sld [smem:$0x3FB8]  }
0x3d: {  	_ =	shalt  }
0x3e: {  	_ =	shalt  }
0x3f: {  	_ =	shalt  }
0x40: {  	_ =	shalt  }
0x41: {  	_ =	shalt  }
0x42: {  	_ =	shalt  }
0x43: {  	_ =	shalt  }
0x44: {  	_ =	shalt  }
0x45: {  	_ =	shalt  }
0x46: {  	_ =	shalt  }
0x47: {  	_ =	shalt  }
0x48: {  	_ =	shalt  }
0x49: {  	_ =	shalt  }
0x4a: {  	_ =	shalt  }
0x4b: {  	_ =	shalt  }
0x4c: {  	_ =	shalt  }
0x4d: {  	_ =	shalt  }
0x4e: {  	_ =	shalt  }
0x4f: {  	_ =	shalt  }
0x50: {  	_ =	shalt  }
0x51: {  	_ =	shalt  }
0x52: {  	_ =	shalt  }
0x53: {  	_ =	shalt  }
0x54: {  	_ =	shalt  }
0x55: {  	_ =	shalt  }
0x56: {  	_ =	shalt  }
0x57: {  	_ =	shalt  }
0x58: {  	_ =	shalt  }
0x59: {  	_ =	shalt  }
0x5a: {  	_ =	shalt  }
0x5b: {  	_ =	shalt  }
0x5c: {  	_ =	shalt  }
0x5d: {  	_ =	shalt  }
0x5e: {  	_ =	shalt  }
0x5f: {  	_ =	shalt  }
0x60: {  	_ =	shalt  }
0x61: {  	_ =	shalt  }
0x62: {  	_ =	shalt  }
0x63: {  	_ =	shalt  }
0x64: {  	_ =	shalt  }
0x65: {  	_ =	shalt  }
0x66: {  	_ =	shalt  }
0x67: {  	_ =	shalt  }
0x68: {  	_ =	shalt  }
0x69: {  	_ =	shalt  }
0x6a: {  	_ =	shalt  }
0x6b: {  	_ =	shalt  }
0x6c: {  	_ =	shalt  }
0x6d: {  	_ =	shalt  }
0x6e: {  	_ =	shalt  }
0x6f: {  	_ =	shalt  }
0x70: {  	_ =	shalt  }
0x71: {  	_ =	shalt  }
0x72: {  	_ =	shalt  }
0x73: {  	_ =	shalt  }
0x74: {  	_ =	shalt  }
0x75: {  	_ =	shalt  }
0x76: {  	_ =	shalt  }
0x77: {  	_ =	shalt  }
0x78: {  	_ =	shalt  }
0x79: {  	_ =	shalt  }
0x7a: {  	_ =	shalt  }
0x7b: {  	_ =	shalt  }
0x7c: {  	_ =	shalt  }
0x7d: {  	_ =	shalt  }
0x7e: {  	_ =	shalt  }
0x7f: {  	_ =	shalt  }
0x80: {  	_ =	shalt  }
0x81: {  	_ =	shalt  }
0x82: {  	_ =	shalt  }
0x83: {  	_ =	shalt  }
0x84: {  	_ =	shalt  }
0x85: {  	_ =	shalt  }
0x86: {  	_ =	shalt  }
0x87: {  	_ =	shalt  }
.Lfunc_end0:
.L_simem_size_0:
called_computation_lowered:
.L_overlay_start_0:
0x88: {  	s2 =	sld [smem:$0x3FD9]  }
0x89: {  	s3 =	sld [smem:$0x3FFE];
	_ =	sdelay $0x1  }
0x8a: {  	s1 =	srdreg.scid  }
0x8b: {  	s0 =	sand.u32 $0x1, s1  }
0x8c: {  	s16 =	sshll.u32 s0, $0xA;
	s2 =	sadd.s32 s3, s2  }
0x8d: {  	s2 =	sadd.s32 s2, s16  }
0x8e: {  	[smem:$0x3FC4] =	sst s2  }
0x8f: {  	_ = 	snop  }
0x90: {  	(tm) =	ssettm $0x1  }
0x91: {  	s17 =	sld [smem:$0x3FFB];
	_ =	sdelay $0x3  }
0x92: {  	_ =	strace s17  }
0x93: {  	s2 =	sld [smem:$0x3FFC];
	_ =	sdelay $0x3  }
0x94: {  	_ =	strace s2  }
0x95: {  	s2 =	sld [smem:$0x3FFD];
	_ =	sdelay $0x3  }
0x96: {  	_ =	strace s2  }
0x97: {  	_ =	strace $0x8FFFFFFF  }
0x98: {  	s18 =	sld [smem:$0x3FDB];
	_ =	sdelay $0x1  }
0x99: {  	s19 =	simm.s32 $_scs_section_size  }
0x9a: {  	s4 =	simm.s32 $_size__tile_overlayer_lowered;
	s5 =	simm.s32 $_tile_overlayer_lowered  }
0x9b: {  	s22 =	simm.s32 $0x1BFF;
	s21 =	sshll.u32 s5, $0x1;
	s2 =	sadd.s32 s19, s18  }
0x9c: {  	s6 =	simm.s32 $0x0;
	s20 =	sshll.u32 s4, $0x1;
	s4 =	sadd.s32 s21, s2  }
0x9d: {  	[timem:s6], [sflag:s22] =	dma.local [hbm:s4], s20  }
0x9e: {  	_ =	swait.ge [sflag:s22], s20  }
0x9f: {  	s3 =	ssub.s32 $0x0, s20;
	[sflag:s22] =	ssyncset.done $0x0  }
0xa0: {  	[sflag:s22] =	ssyncadd.s32 s3;
	_ =	sdelay $0x1  }
0xa1: {  	s23 =	simm.s32 $0x1B8B  }
0xa2: {  	_ =	swait.ge [sflag:s23], $0x1  }
0xa3: {  	[sflag:s23] =	ssyncset.done $0x0  }
0xa4: {  	s25 =	simm.s32 $0x1B8E;
	s24 =	sld [smem:$0x3FFE];
	[sflag:s23] =	ssyncadd.s32 $0xFFFFFFFF  }
0xa5: {  	s26 =	simm.s32 $execute0_lowered;
	[smem:$0x3FD2] =	sst s25  }
0xa6: {  	s4 =	sshll.u32 s26, $0x1;
	_ =	strace $0x80000046;
	[dreg:$0x1] =	wrdreg $0xFFFFFFFF  }
0xa7: {  	s28 =	simm.s32 $_size_execute0_lowered;
	s2 =	sadd.s32 s2, s4;
	[dreg:$0x0] =	wrdreg $0x0  }
0xa8: {  	s4 =	sshll.u32 s28, $0x1;
	[dreg:$0x2] =	wrdreg s2  }
0xa9: {  	[dreg:$0x3] =	wrdreg s4  }
0xaa: {  	[dreg:$0x4] =	wrdreg $0xC0  }
0xab: {  	_ =	task [dreg:s6], $0x5FFFF  }
0xac: {  	[dreg:$0x1] =	wrdreg $0xFFFFFFFF  }
0xad: {  	[dreg:$0x0] =	wrdreg $0x60  }
0xae: {  	[dreg:$0x2] =	wrdreg s24  }
0xaf: {  	[dreg:$0x3] =	wrdreg $0x9  }
0xb0: {  	_ =	task.clear_ibuf [dreg:s6], $0x4FFFF;
	_ =	strace $0x90000046  }
0xb1: {  	s29 =	simm.s32 $0x9;
	_ =	strace $0x80000048  }
0xb2: {  	_ =	swait.ge [sflag:s29], $0x1  }
0xb3: {  	[sflag:s29] =	ssyncadd.s32 $0xFFFFFFFF  }
0xb4: {  	_ =	strace $0x90000048  }
0xb5: {  	_ =	sfence  }
0xb6: {  	s30 =	sld [smem:$0x0];
	_ =	sdelay $0x2  }
0xb7: {  	s31 =	sshll.u32 s1, $0xD;
	s1 =	sshrl.u32 s1, $0x2  }
0xb8: {  	s3 =	sand.u32 $0x4000, s31;
	s1 =	sadd.s32 s1, s30  }
0xb9: {  	s0 =	sor.u32 s3, s0;
	s1 =	sshll.u32 s1, $0x11  }
0xba: {  	s0 =	sor.u32 s1, s0  }
0xbb: {  	s0 =	sadd.s32 $0x8F2B, s0  }
0xbc: {  	[sflag:s0] =	ssyncadd.remote.s32 $0x1  }
0xbd: {  	_ =	sfence.sel $0xFFFF  }
0xbe: {  	[dreg:$0x0] =	wrdreg $0xFFFFFFFF;
	(pc) =	sbr.abs _section_cstart, $3  }
0xbf: {  	[dreg:$0x1] =	wrdreg $0xFFFFFFFF  }
0xc0: {  	_ =	task.clear_ibuf [dreg:s6], $0x2FFFF;
	_ =	strace $0x9FFFFFFF  }
0xc1: {  	(tm) =	ssettm $0x7FFFFFFF  }
tec
execute0_lowered:
.L_overlay_start_1:
0x0: {  	(tag) =	ssettag $0x1  }
0x1: {  	s4 =	rddreg [dreg:$0x0]  }
0x2: {  	s0 =	rddreg [dreg:$0x1];
	s3 =	srdreg.scid  }
0x3: {  	s1 =	stileid.u32;
	s2 =	simm.s32 $0x0;
	s9 =	simm.s32 $0x6400  }
0x4: {  	s10 =	simm.s32 $0x9600;
	s11 =	simm.s32 $0x190;
	s12 =	simm.s32 $0xC800  }
0x5: {  	s13 =	simm.s32 $0x258;
	s14 =	simm.s32 $0xFA00;
	s15 =	simm.s32 $0x1  }
0x6: {  	s16 =	simm.s32 $0x2;
	s17 =	simm.s32 $0x3;
	s18 =	simm.s32 $0x4  }
0x7: {  	s19 =	simm.s32 $0x12C00;
	s20 =	simm.s32 $0x0;
	s5 =	sand.u32 $0x1, s3  }
0x8: {  	s30 =	sshll.u32 s1, $0x1;
	[smem:$0x7FF] =	sst s2;
	s3 =	sadd.s32 $0x19800, s4  }
.Ltmp0:
0x9: {  	s6 =	sor.u32 s5, s30;
	s5 =	ssub.s32 $0x2, s5;
	(pc) =	sbr.rel .LBB2_1-.Ltmp0, $4  }
0xa: {  	s7 =	smul.u32 $0xC80, s6;
	s6 =	sshll.u32 s6, $0xA;
	s31 =	sshrl.u32 s5, $0x1  }
0xb: {  	_ =	strace $0x80000047;
	s6 =	sadd.s32 s6, s4;
	s8 =	ssub.s32 s5, s31  }
0xc: {  	s7 =	sadd.s32 s7, s4;
	s5 =	sadd.s32 $0xDCE00, s6;
	s6 =	smax.u32 s8, $0x1  }
0xd: {  	s8 =	simm.s32 $0xC8;
	s4 =	sadd.s32 $0x800, s7;
	s7 =	simm.s32 $0x5  }
.LBB2_12:
0xe: {  	s20 =	sadd.s32 $0x1, s20  }
0xf: {  	p0 =	sne.s32 s20, s6  }
.Ltmp1:
0x10: {  	_ = 	snop;
	(pc) =	sbr.rel @!p0 .LBB2_13-.Ltmp1, $4  }
0x11: {  	[hbm4b:s5+s2] =	stream.linear.scatter [tilespmem:s19], [sflag:$0x5], $0x2000, $0x38;
	[tilespmem:$0x14C00] =	vst v63  }
0x12: {  	_ =	swait.ge [sflag:s7], $0x2000  }
0x13: {  	[sflag:s7] =	ssyncset.done $0x0  }
0x14: {  	[sflag:s7] =	ssyncadd.s32 $0xFFFFE000  }
.LBB2_1:
0x15: {  	[tilespmem:s2], [sflag:$0x5] =	stream.linear.gather [hbm4b:s4+s2], $0x6400, $0x38;
	[tilespmem:$0x14C00] =	vst v63  }
0x16: {  	_ =	swait.ge [sflag:s7], $0x6400  }
0x17: {  	[sflag:s7] =	ssyncset.done $0x0  }
0x18: {  	[sflag:s7] =	ssyncadd.s32 $0xFFFF9C00  }
0x19: {  	[tilespmem:s9], [sflag:$0x1] =	stream.indirect.gather [hbm4b:s3+s8], $0x40, s2, s8, $0xb8;
	[tilespmem:$0x14C00] =	vst v63  }
0x1a: {  	_ = 	snop  }
0x1b: {  	[tilespmem:s10], [sflag:$0x2] =	stream.indirect.gather [hbm4b:s3+s8], $0x40, s8, s8, $0xb8;
	[tilespmem:$0x14C00] =	vst v63  }
0x1c: {  	_ = 	snop  }
0x1d: {  	[tilespmem:s12], [sflag:$0x3] =	stream.indirect.gather [hbm4b:s3+s8], $0x40, s11, s8, $0xb8;
	[tilespmem:$0x14C00] =	vst v63  }
0x1e: {  	s21 =	simm.s32 $0x0  }
0x1f: {  	[tilespmem:s14], [sflag:$0x4] =	stream.indirect.gather [hbm4b:s3+s8], $0x40, s13, s8, $0xb8;
	[tilespmem:$0x14C00] =	vst v63  }
.LBB2_2:
0x20: {  	_ =	swait.ge [sflag:s15], $0x3200  }
0x21: {  	[sflag:s15] =	ssyncset.done $0x0  }
0x22: {  	s23 =	simm.s32 $0x0;
	[sflag:s15] =	ssyncadd.s32 $0xFFFFCE00  }
0x23: {  	v0 =	vld [tilespmem:s23+$0x6430]  }
0x24: {  	v1 =	vld [tilespmem:s23+$0x6470]  }
0x25: {  	v2 =	vld [tilespmem:s23+$0x64B0]  }
0x26: {  	v3 =	vld [tilespmem:s23+$0x64F0]  }
0x27: {  	v4 =	vld [tilespmem:s23+$0x6530]  }
0x28: {  	v5 =	vld [tilespmem:s23+$0x6570]  }
0x29: {  	v6 =	vld [tilespmem:s23+$0x65B0]  }
0x2a: {  	v7 =	vld [tilespmem:s23+$0x65F0]  }
0x2b: {  	v8 =	vld [tilespmem:s23+$0x6400]  }
0x2c: {  	v9 =	vld [tilespmem:s23+$0x6440]  }
0x2d: {  	v10 =	vld [tilespmem:s23+$0x6480]  }
0x2e: {  	v11 =	vld [tilespmem:s23+$0x64C0]  }
0x2f: {  	v12 =	vld [tilespmem:s23+$0x6500]  }
0x30: {  	v13 =	vld [tilespmem:s23+$0x6540]  }
0x31: {  	v14 =	vld [tilespmem:s23+$0x6580]  }
0x32: {  	v15 =	vld [tilespmem:s23+$0x65C0]  }
0x33: {  	v16 =	vld [tilespmem:s23+$0x6410]  }
0x34: {  	v17 =	vld [tilespmem:s23+$0x6450]  }
0x35: {  	v18 =	vld [tilespmem:s23+$0x6490]  }
0x36: {  	v19 =	vld [tilespmem:s23+$0x64D0]  }
0x37: {  	v20 =	vld [tilespmem:s23+$0x6510]  }
0x38: {  	v21 =	vld [tilespmem:s23+$0x6550]  }
0x39: {  	v22 =	vld [tilespmem:s23+$0x6590]  }
0x3a: {  	v23 =	vld [tilespmem:s23+$0x64A0];
	v0 =	vadd.f32 v1, v0  }
0x3b: {  	v1 =	vadd.f32 v3, v2;
	v2 =	vld [tilespmem:s23+$0x65D0];
	v3 =	vadd.f32 v5, v4  }
0x3c: {  	v4 =	vadd.f32 v7, v6;
	v6 =	vld [tilespmem:s23+$0x6420];
	v5 =	vadd.f32 v13, v12  }
0x3d: {  	v7 =	vld [tilespmem:s23+$0x6460];
	v12 =	vadd.f32 v19, v18;
	v0 =	vadd.f32 v1, v0  }
0x3e: {  	v13 =	vld [tilespmem:s23+$0x6560];
	v1 =	vadd.f32 v4, v3;
	v3 =	vadd.f32 v9, v8  }
0x3f: {  	v4 =	vadd.f32 v11, v10;
	v8 =	vld [tilespmem:s23+$0x64E0];
	v9 =	vadd.f32 v15, v14  }
0x40: {  	v10 =	vld [tilespmem:s23+$0x6520];
	v11 =	vadd.f32 v17, v16;
	v14 =	vadd.f32 v21, v20  }
0x41: {  	v15 =	vld [tilespmem:s23+$0x65A0];
	v3 =	vadd.f32 v4, v3;
	v5 =	vadd.f32 v9, v5  }
0x42: {  	s22 =	simm.s32 $0x200;
	v9 =	vld [tilespmem:s23+$0x65E0];
	v11 =	vadd.f32 v12, v11;
	v2 =	vadd.f32 v2, v22  }
0x43: {  	v4 =	vld [tilespmem:s22+$0x6430];
	v0 =	vadd.f32 v1, v0;
	v12 =	vadd.f32 v7, v6  }
0x44: {  	v6 =	vld [tilespmem:s22+$0x64B0];
	v1 =	vadd.f32 v5, v3;
	v3 =	vimm.f32 $0.0e+00;
	v2 =	vadd.f32 v2, v14  }
0x45: {  	v7 =	vld [tilespmem:s22+$0x6530];
	v0 =	vadd.f32 v0, v3  }
0x46: {  	v5 =	vld [tilespmem:s22+$0x6470];
	v2 =	vadd.f32 v2, v11;
	v11 =	vadd.f32 v8, v23  }
0x47: {  	v13 =	vadd.f32 v13, v10;
	v10 =	vld [tilespmem:s22+$0x65B0];
	v14 =	vadd.f32 v9, v15  }
0x48: {  	v1 =	vadd.f32 v1, v3;
	v8 =	vld [tilespmem:s22+$0x64F0];
	v11 =	vadd.f32 v11, v12  }
0x49: {  	s23 =	simm.s32 $0x1000;
	v9 =	vld [tilespmem:s22+$0x6570];
	v2 =	vadd.f32 v2, v3;
	v12 =	vadd.f32 v14, v13  }
.LBB2_3:
0x4a: {  	p0 =	sne.s32 s23, $0xC000;
	v13 =	vld [tilespmem:s22+$0x65F0]  }
0x4b: {  	v14 =	vld [tilespmem:s22+$0x6400];
	v11 =	vadd.f32 v12, v11  }
0x4c: {  	v12 =	vld [tilespmem:s22+$0x6440]  }
0x4d: {  	v15 =	vld [tilespmem:s22+$0x6480];
	v3 =	vadd.f32 v11, v3  }
0x4e: {  	v4 =	vadd.f32 v5, v4;
	v5 =	vadd.f32 v8, v6;
	v11 =	vld [tilespmem:s22+$0x64C0]  }
0x4f: {  	v7 =	vadd.f32 v9, v7;
	v6 =	vld [tilespmem:s22+$0x6500];
	v8 =	vadd.f32 v13, v10  }
0x50: {  	v9 =	vld [tilespmem:s22+$0x6540]  }
0x51: {  	v4 =	vadd.f32 v5, v4;
	v10 =	vld [tilespmem:s22+$0x6580];
	v5 =	vadd.f32 v8, v7  }
0x52: {  	v8 =	vadd.f32 v12, v14;
	v7 =	vld [tilespmem:s22+$0x65C0]  }
0x53: {  	v11 =	vadd.f32 v11, v15;
	v12 =	vld [tilespmem:s22+$0x6410];
	v4 =	vadd.f32 v5, v4  }
0x54: {  	v5 =	vld [tilespmem:s22+$0x6450]  }
0x55: {  	v6 =	vadd.f32 v9, v6;
	v9 =	vld [tilespmem:s22+$0x6490];
	v0 =	vadd.f32 v4, v0  }
0x56: {  	v4 =	vadd.f32 v11, v8;
	v8 =	vld [tilespmem:s22+$0x64D0]  }
0x57: {  	v7 =	vadd.f32 v7, v10;
	v10 =	vld [tilespmem:s22+$0x6510]  }
0x58: {  	v11 =	vld [tilespmem:s22+$0x6550]  }
0x59: {  	v6 =	vadd.f32 v7, v6;
	v7 =	vld [tilespmem:s22+$0x6590];
	v5 =	vadd.f32 v5, v12  }
0x5a: {  	v12 =	vld [tilespmem:s22+$0x65D0]  }
0x5b: {  	v4 =	vadd.f32 v6, v4;
	v6 =	vadd.f32 v8, v9;
	v8 =	vld [tilespmem:s22+$0x6420]  }
0x5c: {  	v9 =	vld [tilespmem:s22+$0x6460]  }
0x5d: {  	v5 =	vadd.f32 v6, v5;
	v6 =	vadd.f32 v11, v10;
	v10 =	vld [tilespmem:s22+$0x64A0]  }
0x5e: {  	v1 =	vadd.f32 v4, v1;
	v11 =	vld [tilespmem:s22+$0x64E0]  }
0x5f: {  	v4 =	vadd.f32 v12, v7;
	v7 =	vld [tilespmem:s22+$0x6520]  }
0x60: {  	v12 =	vld [tilespmem:s22+$0x6560]  }
0x61: {  	v6 =	vadd.f32 v4, v6;
	v13 =	vld [tilespmem:s22+$0x65A0];
	v8 =	vadd.f32 v9, v8  }
0x62: {  	v9 =	vld [tilespmem:s22+$0x65E0];
	s22 =	sshra.s32 s23, $0x2  }
0x63: {  	v4 =	vld [tilespmem:s22+$0x6430];
	v14 =	vadd.f32 v6, v5;
	v10 =	vadd.f32 v11, v10  }
0x64: {  	v5 =	vld [tilespmem:s22+$0x6470]  }
.Ltmp2:
0x65: {  	v6 =	vld [tilespmem:s22+$0x64B0];
	v11 =	vadd.f32 v10, v8;
	v12 =	vadd.f32 v12, v7;
	(pc) =	sbr.rel @p0 .LBB2_3-.Ltmp2, $4  }
0x66: {  	v2 =	vadd.f32 v14, v2;
	v8 =	vld [tilespmem:s22+$0x64F0]  }
0x67: {  	v7 =	vld [tilespmem:s22+$0x6530];
	v13 =	vadd.f32 v9, v13  }
0x68: {  	v9 =	vld [tilespmem:s22+$0x6570]  }
0x69: {  	s23 =	sadd.s32 $0x800, s23;
	v10 =	vld [tilespmem:s22+$0x65B0];
	v12 =	vadd.f32 v13, v12  }
0x6a: {  	v13 =	vld [tilespmem:s22+$0x65F0]  }
0x6b: {  	v14 =	vld [tilespmem:s22+$0x6400]  }
0x6c: {  	v15 =	vld [tilespmem:s22+$0x6440]  }
0x6d: {  	v16 =	vld [tilespmem:s22+$0x6480]  }
0x6e: {  	v17 =	vld [tilespmem:s22+$0x64C0]  }
0x6f: {  	v18 =	vld [tilespmem:s22+$0x6500]  }
0x70: {  	v19 =	vld [tilespmem:s22+$0x6540]  }
0x71: {  	v20 =	vld [tilespmem:s22+$0x6580]  }
0x72: {  	v21 =	vld [tilespmem:s22+$0x65C0]  }
0x73: {  	v22 =	vld [tilespmem:s22+$0x6410]  }
0x74: {  	v23 =	vld [tilespmem:s22+$0x6450]  }
0x75: {  	v24 =	vld [tilespmem:s22+$0x6490]  }
0x76: {  	v25 =	vld [tilespmem:s22+$0x64D0]  }
0x77: {  	v26 =	vld [tilespmem:s22+$0x6510]  }
0x78: {  	v27 =	vld [tilespmem:s22+$0x6550]  }
0x79: {  	v28 =	vld [tilespmem:s22+$0x6590]  }
0x7a: {  	v29 =	vld [tilespmem:s22+$0x65D0]  }
0x7b: {  	v30 =	vld [tilespmem:s22+$0x6460];
	v11 =	vadd.f32 v12, v11  }
0x7c: {  	v4 =	vadd.f32 v5, v4;
	v53 =	vld [tilespmem:s22+$0x6560];
	v5 =	vadd.f32 v8, v6  }
0x7d: {  	v12 =	vld [tilespmem:s22+$0x6420];
	v3 =	vadd.f32 v11, v3  }
0x7e: {  	v6 =	vld [tilespmem:s22+$0x64E0];
	v7 =	vadd.f32 v9, v7;
	v4 =	vadd.f32 v5, v4  }
0x7f: {  	v11 =	vld [tilespmem:s22+$0x64A0];
	v8 =	vadd.f32 v15, v14;
	v14 =	vadd.f32 v17, v16  }
0x80: {  	v15 =	vld [tilespmem:s22+$0x6520];
	v51 =	vadd.f32 v19, v18;
	v52 =	vadd.f32 v21, v20  }
0x81: {  	v9 =	vadd.f32 v13, v10;
	v10 =	vld [tilespmem:s22+$0x65A0];
	v5 =	vadd.f32 v23, v22  }
0x82: {  	v54 =	vadd.f32 v27, v26;
	v8 =	vadd.f32 v14, v8;
	v14 =	vld [tilespmem:s22+$0x65E0]  }
0x83: {  	v55 =	vadd.f32 v29, v28;
	v13 =	vadd.f32 v52, v51  }
0x84: {  	v12 =	vadd.f32 v30, v12;
	v7 =	vadd.f32 v9, v7  }
0x85: {  	v6 =	vadd.f32 v6, v11;
	v8 =	vadd.f32 v13, v8  }
0x86: {  	v13 =	vadd.f32 v25, v24;
	v4 =	vadd.f32 v7, v4  }
0x87: {  	v11 =	vadd.f32 v53, v15;
	v10 =	vadd.f32 v14, v10  }
0x88: {  	v5 =	vadd.f32 v13, v5;
	v13 =	vadd.f32 v55, v54  }
0x89: {  	v6 =	vadd.f32 v6, v12;
	v10 =	vadd.f32 v10, v11  }
0x8a: {  	v1 =	vadd.f32 v8, v1;
	v5 =	vadd.f32 v13, v5  }
0x8b: {  	v0 =	vadd.f32 v4, v0;
	v6 =	vadd.f32 v10, v6  }
0x8c: {  	s30 =	sshll.u32 s21, $0xA;
	v1 =	vmul.f32 $4.999999890e-03, v1;
	v2 =	vadd.f32 v5, v2  }
0x8d: {  	p0 =	seq.s32 s21, $0x1F;
	s22 =	sshra.s32 s30, $0x2;
	v0 =	vmul.f32 $4.999999890e-03, v0;
	v3 =	vadd.f32 v6, v3  }
0x8e: {  	s23 =	smul.u32 @!p0 $0xC80, s21;
	[tilespmem:s22+$0x12C00] =	vst v1;
	v2 =	vmul.f32 $4.999999890e-03, v2  }
0x8f: {  	[tilespmem:s22+$0x12C30] =	vst v0;
	v1 =	vmul.f32 $4.999999890e-03, v3  }
0x90: {  	s23 =	sshra.s32 @!p0 s23, $0x2;
	[tilespmem:s22+$0x12C10] =	vst v2  }
0x91: {  	s25 =	simm.s32 @!p0 $0xC8;
	s26 =	simm.s32 @!p0 $0x6400;
	s24 =	sadd.s32 @!p0 $0x320, s23;
	[tilespmem:s22+$0x12C20] =	vst v1  }
0x92: {  	[tilespmem:s26], [sflag:$0x1] =	stream.indirect.gather @!p0 [hbm4b:s3+s25], $0x40, s24, s25, $0xb8;
	[tilespmem:$0x14C00] =	vst v63  }
0x93: {  	_ =	swait.ge [sflag:s16], $0x3200  }
0x94: {  	[sflag:s16] =	ssyncset.done $0x0  }
0x95: {  	s31 =	simm.s32 $0x0;
	[sflag:s16] =	ssyncadd.s32 $0xFFFFCE00  }
0x96: {  	v0 =	vld [tilespmem:s31+$0x9630]  }
0x97: {  	v1 =	vld [tilespmem:s31+$0x9670]  }
0x98: {  	v2 =	vld [tilespmem:s31+$0x96B0]  }
0x99: {  	v3 =	vld [tilespmem:s31+$0x96F0]  }
0x9a: {  	v4 =	vld [tilespmem:s31+$0x9730]  }
0x9b: {  	v5 =	vld [tilespmem:s31+$0x9770]  }
0x9c: {  	v6 =	vld [tilespmem:s31+$0x97B0]  }
0x9d: {  	v7 =	vld [tilespmem:s31+$0x97F0]  }
0x9e: {  	v8 =	vld [tilespmem:s31+$0x9600]  }
0x9f: {  	v9 =	vld [tilespmem:s31+$0x9640]  }
0xa0: {  	v10 =	vld [tilespmem:s31+$0x9680]  }
0xa1: {  	v11 =	vld [tilespmem:s31+$0x96C0]  }
0xa2: {  	v12 =	vld [tilespmem:s31+$0x9700]  }
0xa3: {  	v13 =	vld [tilespmem:s31+$0x9740]  }
0xa4: {  	v14 =	vld [tilespmem:s31+$0x9780]  }
0xa5: {  	v15 =	vld [tilespmem:s31+$0x97C0]  }
0xa6: {  	v56 =	vld [tilespmem:s31+$0x9610]  }
0xa7: {  	v57 =	vld [tilespmem:s31+$0x9650]  }
0xa8: {  	v58 =	vld [tilespmem:s31+$0x9690]  }
0xa9: {  	v59 =	vld [tilespmem:s31+$0x96D0]  }
0xaa: {  	v60 =	vld [tilespmem:s31+$0x9710]  }
0xab: {  	v61 =	vld [tilespmem:s31+$0x9750]  }
0xac: {  	v62 =	vld [tilespmem:s31+$0x9790]  }
0xad: {  	v63 =	vld [tilespmem:s31+$0x96A0];
	v0 =	vadd.f32 v1, v0;
	v1 =	vadd.f32 v3, v2  }
0xae: {  	v2 =	vld [tilespmem:s31+$0x97D0];
	v3 =	vadd.f32 v5, v4;
	v4 =	vadd.f32 v7, v6  }
0xaf: {  	v6 =	vld [tilespmem:s31+$0x9620]  }
0xb0: {  	v7 =	vld [tilespmem:s31+$0x9660];
	v0 =	vadd.f32 v1, v0;
	v1 =	vadd.f32 v4, v3  }
0xb1: {  	v3 =	vadd.f32 v9, v8;
	v4 =	vadd.f32 v11, v10;
	v8 =	vld [tilespmem:s31+$0x96E0]  }
0xb2: {  	v5 =	vadd.f32 v59, v58;
	v9 =	vld [tilespmem:s31+$0x9720];
	v0 =	vadd.f32 v1, v0  }
0xb3: {  	v11 =	vld [tilespmem:s31+$0x9760];
	v1 =	vadd.f32 v13, v12;
	v10 =	vadd.f32 v4, v3  }
0xb4: {  	v3 =	vadd.f32 v15, v14;
	v4 =	vadd.f32 v57, v56;
	v12 =	vld [tilespmem:s31+$0x97A0]  }
0xb5: {  	s24 =	simm.s32 $0x200;
	v13 =	vadd.f32 v61, v60;
	v14 =	vld [tilespmem:s31+$0x97E0];
	v2 =	vadd.f32 v2, v62  }
0xb6: {  	v1 =	vadd.f32 v3, v1;
	v3 =	vimm.f32 $0.0e+00;
	v15 =	vadd.f32 v5, v4;
	v4 =	vld [tilespmem:s24+$0x9630]  }
0xb7: {  	v5 =	vld [tilespmem:s24+$0x9670];
	v0 =	vadd.f32 v0, v3;
	v2 =	vadd.f32 v2, v13  }
0xb8: {  	v13 =	vadd.f32 v8, v63;
	v8 =	vld [tilespmem:s24+$0x96F0];
	v1 =	vadd.f32 v1, v10  }
0xb9: {  	v10 =	vadd.f32 v7, v6;
	v6 =	vld [tilespmem:s24+$0x96B0];
	v2 =	vadd.f32 v2, v15  }
0xba: {  	v7 =	vld [tilespmem:s24+$0x9730];
	v15 =	vadd.f32 v11, v9;
	v12 =	vadd.f32 v14, v12  }
0xbb: {  	v9 =	vld [tilespmem:s24+$0x9770];
	v1 =	vadd.f32 v1, v3;
	v11 =	vadd.f32 v13, v10  }
0xbc: {  	s25 =	simm.s32 $0x1000;
	v10 =	vld [tilespmem:s24+$0x97B0];
	v2 =	vadd.f32 v2, v3;
	v12 =	vadd.f32 v12, v15  }
.LBB2_5:
0xbd: {  	p1 =	sne.s32 s25, $0xC000;
	v13 =	vld [tilespmem:s24+$0x97F0]  }
0xbe: {  	v14 =	vld [tilespmem:s24+$0x9600];
	v11 =	vadd.f32 v12, v11  }
0xbf: {  	v12 =	vld [tilespmem:s24+$0x9640]  }
0xc0: {  	v15 =	vld [tilespmem:s24+$0x9680];
	v3 =	vadd.f32 v11, v3  }
0xc1: {  	v4 =	vadd.f32 v5, v4;
	v5 =	vadd.f32 v8, v6;
	v11 =	vld [tilespmem:s24+$0x96C0]  }
0xc2: {  	v7 =	vadd.f32 v9, v7;
	v6 =	vld [tilespmem:s24+$0x9700];
	v8 =	vadd.f32 v13, v10  }
0xc3: {  	v9 =	vld [tilespmem:s24+$0x9740]  }
0xc4: {  	v4 =	vadd.f32 v5, v4;
	v10 =	vld [tilespmem:s24+$0x9780];
	v5 =	vadd.f32 v8, v7  }
0xc5: {  	v8 =	vadd.f32 v12, v14;
	v7 =	vld [tilespmem:s24+$0x97C0]  }
0xc6: {  	v11 =	vadd.f32 v11, v15;
	v12 =	vld [tilespmem:s24+$0x9610];
	v4 =	vadd.f32 v5, v4  }
0xc7: {  	v5 =	vld [tilespmem:s24+$0x9650]  }
0xc8: {  	v6 =	vadd.f32 v9, v6;
	v9 =	vld [tilespmem:s24+$0x9690];
	v0 =	vadd.f32 v4, v0  }
0xc9: {  	v4 =	vadd.f32 v11, v8;
	v8 =	vld [tilespmem:s24+$0x96D0]  }
0xca: {  	v7 =	vadd.f32 v7, v10;
	v10 =	vld [tilespmem:s24+$0x9710]  }
0xcb: {  	v11 =	vld [tilespmem:s24+$0x9750]  }
0xcc: {  	v6 =	vadd.f32 v7, v6;
	v7 =	vld [tilespmem:s24+$0x9790];
	v5 =	vadd.f32 v5, v12  }
0xcd: {  	v12 =	vld [tilespmem:s24+$0x97D0]  }
0xce: {  	v4 =	vadd.f32 v6, v4;
	v6 =	vadd.f32 v8, v9;
	v8 =	vld [tilespmem:s24+$0x9620]  }
0xcf: {  	v9 =	vld [tilespmem:s24+$0x9660]  }
0xd0: {  	v5 =	vadd.f32 v6, v5;
	v6 =	vadd.f32 v11, v10;
	v10 =	vld [tilespmem:s24+$0x96A0]  }
0xd1: {  	v1 =	vadd.f32 v4, v1;
	v11 =	vld [tilespmem:s24+$0x96E0]  }
0xd2: {  	v4 =	vadd.f32 v12, v7;
	v7 =	vld [tilespmem:s24+$0x9720]  }
0xd3: {  	v12 =	vld [tilespmem:s24+$0x9760]  }
0xd4: {  	v6 =	vadd.f32 v4, v6;
	v13 =	vld [tilespmem:s24+$0x97A0];
	v8 =	vadd.f32 v9, v8  }
0xd5: {  	v9 =	vld [tilespmem:s24+$0x97E0];
	s24 =	sshra.s32 s25, $0x2  }
0xd6: {  	v4 =	vld [tilespmem:s24+$0x9630];
	v14 =	vadd.f32 v6, v5;
	v10 =	vadd.f32 v11, v10  }
0xd7: {  	v5 =	vld [tilespmem:s24+$0x9670]  }
.Ltmp3:
0xd8: {  	v6 =	vld [tilespmem:s24+$0x96B0];
	v11 =	vadd.f32 v10, v8;
	v12 =	vadd.f32 v12, v7;
	(pc) =	sbr.rel @p1 .LBB2_5-.Ltmp3, $4  }
0xd9: {  	v2 =	vadd.f32 v14, v2;
	v8 =	vld [tilespmem:s24+$0x96F0]  }
0xda: {  	v7 =	vld [tilespmem:s24+$0x9730];
	v13 =	vadd.f32 v9, v13  }
0xdb: {  	v9 =	vld [tilespmem:s24+$0x9770]  }
0xdc: {  	s25 =	sadd.s32 $0x800, s25;
	v10 =	vld [tilespmem:s24+$0x97B0];
	v12 =	vadd.f32 v13, v12  }
0xdd: {  	v13 =	vld [tilespmem:s24+$0x97F0]  }
0xde: {  	v14 =	vld [tilespmem:s24+$0x9600]  }
0xdf: {  	v15 =	vld [tilespmem:s24+$0x9640]  }
0xe0: {  	v16 =	vld [tilespmem:s24+$0x9680]  }
0xe1: {  	v17 =	vld [tilespmem:s24+$0x96C0]  }
0xe2: {  	v18 =	vld [tilespmem:s24+$0x9700]  }
0xe3: {  	v19 =	vld [tilespmem:s24+$0x9740]  }
0xe4: {  	v20 =	vld [tilespmem:s24+$0x9780]  }
0xe5: {  	v21 =	vld [tilespmem:s24+$0x97C0]  }
0xe6: {  	v22 =	vld [tilespmem:s24+$0x9610]  }
0xe7: {  	v23 =	vld [tilespmem:s24+$0x9650]  }
0xe8: {  	v24 =	vld [tilespmem:s24+$0x9690]  }
0xe9: {  	v25 =	vld [tilespmem:s24+$0x96D0]  }
0xea: {  	v26 =	vld [tilespmem:s24+$0x9710]  }
0xeb: {  	v27 =	vld [tilespmem:s24+$0x9750]  }
0xec: {  	v28 =	vld [tilespmem:s24+$0x9790]  }
0xed: {  	v29 =	vld [tilespmem:s24+$0x97D0]  }
0xee: {  	v30 =	vld [tilespmem:s24+$0x9660];
	v11 =	vadd.f32 v12, v11  }
0xef: {  	v4 =	vadd.f32 v5, v4;
	v53 =	vld [tilespmem:s24+$0x9760];
	v5 =	vadd.f32 v8, v6  }
0xf0: {  	v12 =	vld [tilespmem:s24+$0x9620];
	v3 =	vadd.f32 v11, v3  }
0xf1: {  	v6 =	vld [tilespmem:s24+$0x96E0];
	v7 =	vadd.f32 v9, v7;
	v4 =	vadd.f32 v5, v4  }
0xf2: {  	v11 =	vld [tilespmem:s24+$0x96A0];
	v8 =	vadd.f32 v15, v14;
	v14 =	vadd.f32 v17, v16  }
0xf3: {  	v15 =	vld [tilespmem:s24+$0x9720];
	v51 =	vadd.f32 v19, v18;
	v52 =	vadd.f32 v21, v20  }
0xf4: {  	v9 =	vadd.f32 v13, v10;
	v10 =	vld [tilespmem:s24+$0x97A0];
	v5 =	vadd.f32 v23, v22  }
0xf5: {  	v54 =	vadd.f32 v27, v26;
	v8 =	vadd.f32 v14, v8;
	v14 =	vld [tilespmem:s24+$0x97E0]  }
0xf6: {  	v55 =	vadd.f32 v29, v28;
	v13 =	vadd.f32 v52, v51  }
0xf7: {  	v12 =	vadd.f32 v30, v12;
	v7 =	vadd.f32 v9, v7  }
0xf8: {  	v6 =	vadd.f32 v6, v11;
	v8 =	vadd.f32 v13, v8  }
0xf9: {  	v13 =	vadd.f32 v25, v24;
	v4 =	vadd.f32 v7, v4  }
0xfa: {  	v11 =	vadd.f32 v53, v15;
	v10 =	vadd.f32 v14, v10  }
0xfb: {  	v5 =	vadd.f32 v13, v5;
	v13 =	vadd.f32 v55, v54  }
0xfc: {  	v6 =	vadd.f32 v6, v12;
	v10 =	vadd.f32 v10, v11  }
0xfd: {  	v1 =	vadd.f32 v8, v1;
	v5 =	vadd.f32 v13, v5  }
0xfe: {  	v0 =	vadd.f32 v4, v0;
	v6 =	vadd.f32 v10, v6  }
0xff: {  	v1 =	vmul.f32 $4.999999890e-03, v1;
	v2 =	vadd.f32 v5, v2  }
0x100: {  	v0 =	vmul.f32 $4.999999890e-03, v0;
	v3 =	vadd.f32 v6, v3  }
0x101: {  	[tilespmem:s22+$0x12C40] =	vst v1;
	v2 =	vmul.f32 $4.999999890e-03, v2  }
0x102: {  	[tilespmem:s22+$0x12C70] =	vst v0;
	v1 =	vmul.f32 $4.999999890e-03, v3  }
0x103: {  	[tilespmem:s22+$0x12C50] =	vst v2  }
0x104: {  	s25 =	simm.s32 @!p0 $0xC8;
	s26 =	simm.s32 @!p0 $0x9600;
	s24 =	sadd.s32 @!p0 $0x3E8, s23;
	[tilespmem:s22+$0x12C60] =	vst v1  }
0x105: {  	[tilespmem:s26], [sflag:$0x2] =	stream.indirect.gather @!p0 [hbm4b:s3+s25], $0x40, s24, s25, $0xb8;
	[tilespmem:$0x14C00] =	vst v63  }
0x106: {  	_ =	swait.ge [sflag:s17], $0x3200  }
0x107: {  	[sflag:s17] =	ssyncset.done $0x0  }
0x108: {  	s31 =	simm.s32 $0x0;
	[sflag:s17] =	ssyncadd.s32 $0xFFFFCE00  }
0x109: {  	v0 =	vld [tilespmem:s31+$0xC830]  }
0x10a: {  	v1 =	vld [tilespmem:s31+$0xC870]  }
0x10b: {  	v2 =	vld [tilespmem:s31+$0xC8B0]  }
0x10c: {  	v3 =	vld [tilespmem:s31+$0xC8F0]  }
0x10d: {  	v4 =	vld [tilespmem:s31+$0xC930]  }
0x10e: {  	v5 =	vld [tilespmem:s31+$0xC970]  }
0x10f: {  	v6 =	vld [tilespmem:s31+$0xC9B0]  }
0x110: {  	v7 =	vld [tilespmem:s31+$0xC9F0]  }
0x111: {  	v8 =	vld [tilespmem:s31+$0xC800]  }
0x112: {  	v9 =	vld [tilespmem:s31+$0xC840]  }
0x113: {  	v10 =	vld [tilespmem:s31+$0xC880]  }
0x114: {  	v11 =	vld [tilespmem:s31+$0xC8C0]  }
0x115: {  	v12 =	vld [tilespmem:s31+$0xC900]  }
0x116: {  	v13 =	vld [tilespmem:s31+$0xC940]  }
0x117: {  	v14 =	vld [tilespmem:s31+$0xC980]  }
0x118: {  	v15 =	vld [tilespmem:s31+$0xC9C0]  }
0x119: {  	v56 =	vld [tilespmem:s31+$0xC810]  }
0x11a: {  	v57 =	vld [tilespmem:s31+$0xC850]  }
0x11b: {  	v58 =	vld [tilespmem:s31+$0xC890]  }
0x11c: {  	v59 =	vld [tilespmem:s31+$0xC8D0]  }
0x11d: {  	v60 =	vld [tilespmem:s31+$0xC910]  }
0x11e: {  	v61 =	vld [tilespmem:s31+$0xC950]  }
0x11f: {  	v62 =	vld [tilespmem:s31+$0xC990]  }
0x120: {  	v63 =	vld [tilespmem:s31+$0xC8A0];
	v0 =	vadd.f32 v1, v0;
	v1 =	vadd.f32 v3, v2  }
0x121: {  	v2 =	vld [tilespmem:s31+$0xC9D0];
	v3 =	vadd.f32 v5, v4;
	v4 =	vadd.f32 v7, v6  }
0x122: {  	v6 =	vld [tilespmem:s31+$0xC820]  }
0x123: {  	v7 =	vld [tilespmem:s31+$0xC860];
	v0 =	vadd.f32 v1, v0;
	v1 =	vadd.f32 v4, v3  }
0x124: {  	v3 =	vadd.f32 v9, v8;
	v4 =	vadd.f32 v11, v10;
	v8 =	vld [tilespmem:s31+$0xC8E0]  }
0x125: {  	v5 =	vadd.f32 v59, v58;
	v9 =	vld [tilespmem:s31+$0xC920];
	v0 =	vadd.f32 v1, v0  }
0x126: {  	v11 =	vld [tilespmem:s31+$0xC960];
	v1 =	vadd.f32 v13, v12;
	v10 =	vadd.f32 v4, v3  }
0x127: {  	v3 =	vadd.f32 v15, v14;
	v4 =	vadd.f32 v57, v56;
	v12 =	vld [tilespmem:s31+$0xC9A0]  }
0x128: {  	s24 =	simm.s32 $0x200;
	v13 =	vadd.f32 v61, v60;
	v14 =	vld [tilespmem:s31+$0xC9E0];
	v2 =	vadd.f32 v2, v62  }
0x129: {  	v1 =	vadd.f32 v3, v1;
	v3 =	vimm.f32 $0.0e+00;
	v15 =	vadd.f32 v5, v4;
	v4 =	vld [tilespmem:s24+$0xC830]  }
0x12a: {  	v5 =	vld [tilespmem:s24+$0xC870];
	v0 =	vadd.f32 v0, v3;
	v2 =	vadd.f32 v2, v13  }
0x12b: {  	v13 =	vadd.f32 v8, v63;
	v8 =	vld [tilespmem:s24+$0xC8F0];
	v1 =	vadd.f32 v1, v10  }
0x12c: {  	v10 =	vadd.f32 v7, v6;
	v6 =	vld [tilespmem:s24+$0xC8B0];
	v2 =	vadd.f32 v2, v15  }
0x12d: {  	v7 =	vld [tilespmem:s24+$0xC930];
	v15 =	vadd.f32 v11, v9;
	v12 =	vadd.f32 v14, v12  }
0x12e: {  	v9 =	vld [tilespmem:s24+$0xC970];
	v1 =	vadd.f32 v1, v3;
	v11 =	vadd.f32 v13, v10  }
0x12f: {  	s25 =	simm.s32 $0x1000;
	v10 =	vld [tilespmem:s24+$0xC9B0];
	v2 =	vadd.f32 v2, v3;
	v12 =	vadd.f32 v12, v15  }
.LBB2_7:
0x130: {  	p1 =	sne.s32 s25, $0xC000;
	v13 =	vld [tilespmem:s24+$0xC9F0]  }
0x131: {  	v14 =	vld [tilespmem:s24+$0xC800];
	v11 =	vadd.f32 v12, v11  }
0x132: {  	v12 =	vld [tilespmem:s24+$0xC840]  }
0x133: {  	v15 =	vld [tilespmem:s24+$0xC880];
	v3 =	vadd.f32 v11, v3  }
0x134: {  	v4 =	vadd.f32 v5, v4;
	v5 =	vadd.f32 v8, v6;
	v11 =	vld [tilespmem:s24+$0xC8C0]  }
0x135: {  	v7 =	vadd.f32 v9, v7;
	v6 =	vld [tilespmem:s24+$0xC900];
	v8 =	vadd.f32 v13, v10  }
0x136: {  	v9 =	vld [tilespmem:s24+$0xC940]  }
0x137: {  	v4 =	vadd.f32 v5, v4;
	v10 =	vld [tilespmem:s24+$0xC980];
	v5 =	vadd.f32 v8, v7  }
0x138: {  	v8 =	vadd.f32 v12, v14;
	v7 =	vld [tilespmem:s24+$0xC9C0]  }
0x139: {  	v11 =	vadd.f32 v11, v15;
	v12 =	vld [tilespmem:s24+$0xC810];
	v4 =	vadd.f32 v5, v4  }
0x13a: {  	v5 =	vld [tilespmem:s24+$0xC850]  }
0x13b: {  	v6 =	vadd.f32 v9, v6;
	v9 =	vld [tilespmem:s24+$0xC890];
	v0 =	vadd.f32 v4, v0  }
0x13c: {  	v4 =	vadd.f32 v11, v8;
	v8 =	vld [tilespmem:s24+$0xC8D0]  }
0x13d: {  	v7 =	vadd.f32 v7, v10;
	v10 =	vld [tilespmem:s24+$0xC910]  }
0x13e: {  	v11 =	vld [tilespmem:s24+$0xC950]  }
0x13f: {  	v6 =	vadd.f32 v7, v6;
	v7 =	vld [tilespmem:s24+$0xC990];
	v5 =	vadd.f32 v5, v12  }
0x140: {  	v12 =	vld [tilespmem:s24+$0xC9D0]  }
0x141: {  	v4 =	vadd.f32 v6, v4;
	v6 =	vadd.f32 v8, v9;
	v8 =	vld [tilespmem:s24+$0xC820]  }
0x142: {  	v9 =	vld [tilespmem:s24+$0xC860]  }
0x143: {  	v5 =	vadd.f32 v6, v5;
	v6 =	vadd.f32 v11, v10;
	v10 =	vld [tilespmem:s24+$0xC8A0]  }
0x144: {  	v1 =	vadd.f32 v4, v1;
	v11 =	vld [tilespmem:s24+$0xC8E0]  }
0x145: {  	v4 =	vadd.f32 v12, v7;
	v7 =	vld [tilespmem:s24+$0xC920]  }
0x146: {  	v12 =	vld [tilespmem:s24+$0xC960]  }
0x147: {  	v6 =	vadd.f32 v4, v6;
	v13 =	vld [tilespmem:s24+$0xC9A0];
	v8 =	vadd.f32 v9, v8  }
0x148: {  	v9 =	vld [tilespmem:s24+$0xC9E0];
	s24 =	sshra.s32 s25, $0x2  }
0x149: {  	v4 =	vld [tilespmem:s24+$0xC830];
	v14 =	vadd.f32 v6, v5;
	v10 =	vadd.f32 v11, v10  }
0x14a: {  	v5 =	vld [tilespmem:s24+$0xC870]  }
.Ltmp4:
0x14b: {  	v6 =	vld [tilespmem:s24+$0xC8B0];
	v11 =	vadd.f32 v10, v8;
	v12 =	vadd.f32 v12, v7;
	(pc) =	sbr.rel @p1 .LBB2_7-.Ltmp4, $4  }
0x14c: {  	v2 =	vadd.f32 v14, v2;
	v8 =	vld [tilespmem:s24+$0xC8F0]  }
0x14d: {  	v7 =	vld [tilespmem:s24+$0xC930];
	v13 =	vadd.f32 v9, v13  }
0x14e: {  	v9 =	vld [tilespmem:s24+$0xC970]  }
0x14f: {  	s25 =	sadd.s32 $0x800, s25;
	v10 =	vld [tilespmem:s24+$0xC9B0];
	v12 =	vadd.f32 v13, v12  }
0x150: {  	v13 =	vld [tilespmem:s24+$0xC9F0]  }
0x151: {  	v14 =	vld [tilespmem:s24+$0xC800]  }
0x152: {  	v15 =	vld [tilespmem:s24+$0xC840]  }
0x153: {  	v16 =	vld [tilespmem:s24+$0xC880]  }
0x154: {  	v17 =	vld [tilespmem:s24+$0xC8C0]  }
0x155: {  	v18 =	vld [tilespmem:s24+$0xC900]  }
0x156: {  	v19 =	vld [tilespmem:s24+$0xC940]  }
0x157: {  	v20 =	vld [tilespmem:s24+$0xC980]  }
0x158: {  	v21 =	vld [tilespmem:s24+$0xC9C0]  }
0x159: {  	v22 =	vld [tilespmem:s24+$0xC810]  }
0x15a: {  	v23 =	vld [tilespmem:s24+$0xC850]  }
0x15b: {  	v24 =	vld [tilespmem:s24+$0xC890]  }
0x15c: {  	v25 =	vld [tilespmem:s24+$0xC8D0]  }
0x15d: {  	v26 =	vld [tilespmem:s24+$0xC910]  }
0x15e: {  	v27 =	vld [tilespmem:s24+$0xC950]  }
0x15f: {  	v28 =	vld [tilespmem:s24+$0xC990]  }
0x160: {  	v29 =	vld [tilespmem:s24+$0xC9D0]  }
0x161: {  	v30 =	vld [tilespmem:s24+$0xC860];
	v11 =	vadd.f32 v12, v11  }
0x162: {  	v4 =	vadd.f32 v5, v4;
	v53 =	vld [tilespmem:s24+$0xC960];
	v5 =	vadd.f32 v8, v6  }
0x163: {  	v12 =	vld [tilespmem:s24+$0xC820];
	v3 =	vadd.f32 v11, v3  }
0x164: {  	v6 =	vld [tilespmem:s24+$0xC8E0];
	v7 =	vadd.f32 v9, v7;
	v4 =	vadd.f32 v5, v4  }
0x165: {  	v11 =	vld [tilespmem:s24+$0xC8A0];
	v8 =	vadd.f32 v15, v14;
	v14 =	vadd.f32 v17, v16  }
0x166: {  	v15 =	vld [tilespmem:s24+$0xC920];
	v51 =	vadd.f32 v19, v18;
	v52 =	vadd.f32 v21, v20  }
0x167: {  	v9 =	vadd.f32 v13, v10;
	v10 =	vld [tilespmem:s24+$0xC9A0];
	v5 =	vadd.f32 v23, v22  }
0x168: {  	v54 =	vadd.f32 v27, v26;
	v8 =	vadd.f32 v14, v8;
	v14 =	vld [tilespmem:s24+$0xC9E0]  }
0x169: {  	v55 =	vadd.f32 v29, v28;
	v13 =	vadd.f32 v52, v51  }
0x16a: {  	v12 =	vadd.f32 v30, v12;
	v7 =	vadd.f32 v9, v7  }
0x16b: {  	v6 =	vadd.f32 v6, v11;
	v8 =	vadd.f32 v13, v8  }
0x16c: {  	v13 =	vadd.f32 v25, v24;
	v4 =	vadd.f32 v7, v4  }
0x16d: {  	v11 =	vadd.f32 v53, v15;
	v10 =	vadd.f32 v14, v10  }
0x16e: {  	v5 =	vadd.f32 v13, v5;
	v13 =	vadd.f32 v55, v54  }
0x16f: {  	v6 =	vadd.f32 v6, v12;
	v10 =	vadd.f32 v10, v11  }
0x170: {  	v1 =	vadd.f32 v8, v1;
	v5 =	vadd.f32 v13, v5  }
0x171: {  	v0 =	vadd.f32 v4, v0;
	v6 =	vadd.f32 v10, v6  }
0x172: {  	v1 =	vmul.f32 $4.999999890e-03, v1;
	v2 =	vadd.f32 v5, v2  }
0x173: {  	v0 =	vmul.f32 $4.999999890e-03, v0;
	v3 =	vadd.f32 v6, v3  }
0x174: {  	[tilespmem:s22+$0x12C80] =	vst v1;
	v2 =	vmul.f32 $4.999999890e-03, v2  }
0x175: {  	[tilespmem:s22+$0x12CB0] =	vst v0;
	v1 =	vmul.f32 $4.999999890e-03, v3  }
0x176: {  	[tilespmem:s22+$0x12C90] =	vst v2  }
0x177: {  	s23 =	sadd.s32 @!p0 $0x4B0, s23;
	s25 =	simm.s32 @!p0 $0xC800;
	s24 =	simm.s32 @!p0 $0xC8;
	[tilespmem:s22+$0x12CA0] =	vst v1  }
0x178: {  	[tilespmem:s25], [sflag:$0x3] =	stream.indirect.gather @!p0 [hbm4b:s3+s24], $0x40, s23, s24, $0xb8;
	[tilespmem:$0x14C00] =	vst v63  }
0x179: {  	_ =	swait.ge [sflag:s18], $0x3200  }
0x17a: {  	[sflag:s18] =	ssyncset.done $0x0  }
0x17b: {  	s31 =	simm.s32 $0x0;
	[sflag:s18] =	ssyncadd.s32 $0xFFFFCE00  }
0x17c: {  	v0 =	vld [tilespmem:s31+$0xFA30]  }
0x17d: {  	v1 =	vld [tilespmem:s31+$0xFA70]  }
0x17e: {  	v2 =	vld [tilespmem:s31+$0xFAB0]  }
0x17f: {  	v3 =	vld [tilespmem:s31+$0xFAF0]  }
0x180: {  	v4 =	vld [tilespmem:s31+$0xFB30]  }
0x181: {  	v5 =	vld [tilespmem:s31+$0xFB70]  }
0x182: {  	v6 =	vld [tilespmem:s31+$0xFBB0]  }
0x183: {  	v7 =	vld [tilespmem:s31+$0xFBF0]  }
0x184: {  	v8 =	vld [tilespmem:s31+$0xFA00]  }
0x185: {  	v9 =	vld [tilespmem:s31+$0xFA40]  }
0x186: {  	v10 =	vld [tilespmem:s31+$0xFA80]  }
0x187: {  	v11 =	vld [tilespmem:s31+$0xFAC0]  }
0x188: {  	v12 =	vld [tilespmem:s31+$0xFB00]  }
0x189: {  	v13 =	vld [tilespmem:s31+$0xFB40]  }
0x18a: {  	v14 =	vld [tilespmem:s31+$0xFB80]  }
0x18b: {  	v15 =	vld [tilespmem:s31+$0xFBC0]  }
0x18c: {  	v56 =	vld [tilespmem:s31+$0xFA10]  }
0x18d: {  	v57 =	vld [tilespmem:s31+$0xFA50]  }
0x18e: {  	v58 =	vld [tilespmem:s31+$0xFA90]  }
0x18f: {  	v59 =	vld [tilespmem:s31+$0xFAD0]  }
0x190: {  	v60 =	vld [tilespmem:s31+$0xFB10]  }
0x191: {  	v61 =	vld [tilespmem:s31+$0xFB50]  }
0x192: {  	v62 =	vld [tilespmem:s31+$0xFB90]  }
0x193: {  	v63 =	vld [tilespmem:s31+$0xFAA0];
	v0 =	vadd.f32 v1, v0;
	v1 =	vadd.f32 v3, v2  }
0x194: {  	v2 =	vld [tilespmem:s31+$0xFBD0];
	v3 =	vadd.f32 v5, v4;
	v4 =	vadd.f32 v7, v6  }
0x195: {  	v6 =	vld [tilespmem:s31+$0xFA20]  }
0x196: {  	v7 =	vld [tilespmem:s31+$0xFA60];
	v0 =	vadd.f32 v1, v0;
	v1 =	vadd.f32 v4, v3  }
0x197: {  	v3 =	vadd.f32 v9, v8;
	v4 =	vadd.f32 v11, v10;
	v8 =	vld [tilespmem:s31+$0xFAE0]  }
0x198: {  	v5 =	vadd.f32 v59, v58;
	v9 =	vld [tilespmem:s31+$0xFB20];
	v0 =	vadd.f32 v1, v0  }
0x199: {  	v11 =	vld [tilespmem:s31+$0xFB60];
	v1 =	vadd.f32 v13, v12;
	v10 =	vadd.f32 v4, v3  }
0x19a: {  	v3 =	vadd.f32 v15, v14;
	v4 =	vadd.f32 v57, v56;
	v12 =	vld [tilespmem:s31+$0xFBA0]  }
0x19b: {  	s23 =	simm.s32 $0x200;
	v13 =	vadd.f32 v61, v60;
	v14 =	vld [tilespmem:s31+$0xFBE0];
	v2 =	vadd.f32 v2, v62  }
0x19c: {  	v1 =	vadd.f32 v3, v1;
	v3 =	vimm.f32 $0.0e+00;
	v15 =	vadd.f32 v5, v4;
	v4 =	vld [tilespmem:s23+$0xFA30]  }
0x19d: {  	v5 =	vld [tilespmem:s23+$0xFA70];
	v0 =	vadd.f32 v0, v3;
	v2 =	vadd.f32 v2, v13  }
0x19e: {  	v13 =	vadd.f32 v8, v63;
	v8 =	vld [tilespmem:s23+$0xFAF0];
	v1 =	vadd.f32 v1, v10  }
0x19f: {  	v10 =	vadd.f32 v7, v6;
	v6 =	vld [tilespmem:s23+$0xFAB0];
	v2 =	vadd.f32 v2, v15  }
0x1a0: {  	v7 =	vld [tilespmem:s23+$0xFB30];
	v15 =	vadd.f32 v11, v9;
	v12 =	vadd.f32 v14, v12  }
0x1a1: {  	v9 =	vld [tilespmem:s23+$0xFB70];
	v1 =	vadd.f32 v1, v3;
	v11 =	vadd.f32 v13, v10  }
0x1a2: {  	s24 =	simm.s32 $0x1000;
	v10 =	vld [tilespmem:s23+$0xFBB0];
	v2 =	vadd.f32 v2, v3;
	v12 =	vadd.f32 v12, v15  }
.LBB2_9:
0x1a3: {  	p1 =	sne.s32 s24, $0xC000;
	v13 =	vld [tilespmem:s23+$0xFBF0]  }
0x1a4: {  	v14 =	vld [tilespmem:s23+$0xFA00];
	v11 =	vadd.f32 v12, v11  }
0x1a5: {  	v12 =	vld [tilespmem:s23+$0xFA40]  }
0x1a6: {  	v15 =	vld [tilespmem:s23+$0xFA80];
	v3 =	vadd.f32 v11, v3  }
0x1a7: {  	v4 =	vadd.f32 v5, v4;
	v5 =	vadd.f32 v8, v6;
	v11 =	vld [tilespmem:s23+$0xFAC0]  }
0x1a8: {  	v7 =	vadd.f32 v9, v7;
	v6 =	vld [tilespmem:s23+$0xFB00];
	v8 =	vadd.f32 v13, v10  }
0x1a9: {  	v9 =	vld [tilespmem:s23+$0xFB40]  }
0x1aa: {  	v4 =	vadd.f32 v5, v4;
	v10 =	vld [tilespmem:s23+$0xFB80];
	v5 =	vadd.f32 v8, v7  }
0x1ab: {  	v8 =	vadd.f32 v12, v14;
	v7 =	vld [tilespmem:s23+$0xFBC0]  }
0x1ac: {  	v11 =	vadd.f32 v11, v15;
	v12 =	vld [tilespmem:s23+$0xFA10];
	v4 =	vadd.f32 v5, v4  }
0x1ad: {  	v5 =	vld [tilespmem:s23+$0xFA50]  }
0x1ae: {  	v6 =	vadd.f32 v9, v6;
	v9 =	vld [tilespmem:s23+$0xFA90];
	v0 =	vadd.f32 v4, v0  }
0x1af: {  	v4 =	vadd.f32 v11, v8;
	v8 =	vld [tilespmem:s23+$0xFAD0]  }
0x1b0: {  	v7 =	vadd.f32 v7, v10;
	v10 =	vld [tilespmem:s23+$0xFB10]  }
0x1b1: {  	v11 =	vld [tilespmem:s23+$0xFB50]  }
0x1b2: {  	v6 =	vadd.f32 v7, v6;
	v7 =	vld [tilespmem:s23+$0xFB90];
	v5 =	vadd.f32 v5, v12  }
0x1b3: {  	v12 =	vld [tilespmem:s23+$0xFBD0]  }
0x1b4: {  	v4 =	vadd.f32 v6, v4;
	v6 =	vadd.f32 v8, v9;
	v8 =	vld [tilespmem:s23+$0xFA20]  }
0x1b5: {  	v9 =	vld [tilespmem:s23+$0xFA60]  }
0x1b6: {  	v5 =	vadd.f32 v6, v5;
	v6 =	vadd.f32 v11, v10;
	v10 =	vld [tilespmem:s23+$0xFAA0]  }
0x1b7: {  	v1 =	vadd.f32 v4, v1;
	v11 =	vld [tilespmem:s23+$0xFAE0]  }
0x1b8: {  	v4 =	vadd.f32 v12, v7;
	v7 =	vld [tilespmem:s23+$0xFB20]  }
0x1b9: {  	v12 =	vld [tilespmem:s23+$0xFB60]  }
0x1ba: {  	v6 =	vadd.f32 v4, v6;
	v13 =	vld [tilespmem:s23+$0xFBA0];
	v8 =	vadd.f32 v9, v8  }
0x1bb: {  	v9 =	vld [tilespmem:s23+$0xFBE0];
	s23 =	sshra.s32 s24, $0x2  }
0x1bc: {  	v4 =	vld [tilespmem:s23+$0xFA30];
	v14 =	vadd.f32 v6, v5;
	v10 =	vadd.f32 v11, v10  }
0x1bd: {  	v5 =	vld [tilespmem:s23+$0xFA70]  }
.Ltmp5:
0x1be: {  	v6 =	vld [tilespmem:s23+$0xFAB0];
	v11 =	vadd.f32 v10, v8;
	v12 =	vadd.f32 v12, v7;
	(pc) =	sbr.rel @p1 .LBB2_9-.Ltmp5, $4  }
0x1bf: {  	v2 =	vadd.f32 v14, v2;
	v8 =	vld [tilespmem:s23+$0xFAF0]  }
0x1c0: {  	v7 =	vld [tilespmem:s23+$0xFB30];
	v13 =	vadd.f32 v9, v13  }
0x1c1: {  	v9 =	vld [tilespmem:s23+$0xFB70]  }
0x1c2: {  	s24 =	sadd.s32 $0x800, s24;
	v10 =	vld [tilespmem:s23+$0xFBB0];
	v12 =	vadd.f32 v13, v12  }
0x1c3: {  	v13 =	vld [tilespmem:s23+$0xFBF0]  }
0x1c4: {  	v14 =	vld [tilespmem:s23+$0xFA00]  }
0x1c5: {  	v15 =	vld [tilespmem:s23+$0xFA40]  }
0x1c6: {  	v16 =	vld [tilespmem:s23+$0xFA80]  }
0x1c7: {  	v17 =	vld [tilespmem:s23+$0xFAC0]  }
0x1c8: {  	v18 =	vld [tilespmem:s23+$0xFB00]  }
0x1c9: {  	v19 =	vld [tilespmem:s23+$0xFB40]  }
0x1ca: {  	v20 =	vld [tilespmem:s23+$0xFB80]  }
0x1cb: {  	v21 =	vld [tilespmem:s23+$0xFBC0]  }
0x1cc: {  	v22 =	vld [tilespmem:s23+$0xFA10]  }
0x1cd: {  	v23 =	vld [tilespmem:s23+$0xFA50]  }
0x1ce: {  	v24 =	vld [tilespmem:s23+$0xFA90]  }
0x1cf: {  	v25 =	vld [tilespmem:s23+$0xFAD0]  }
0x1d0: {  	v26 =	vld [tilespmem:s23+$0xFB10]  }
0x1d1: {  	v27 =	vld [tilespmem:s23+$0xFB50]  }
0x1d2: {  	v28 =	vld [tilespmem:s23+$0xFB90]  }
0x1d3: {  	v29 =	vld [tilespmem:s23+$0xFBD0]  }
0x1d4: {  	v43 =	vld [tilespmem:s23+$0xFA20]  }
0x1d5: {  	v30 =	vld [tilespmem:s23+$0xFA60]  }
0x1d6: {  	v44 =	vld [tilespmem:s23+$0xFAA0];
	v11 =	vadd.f32 v12, v11  }
0x1d7: {  	v4 =	vadd.f32 v5, v4;
	v46 =	vld [tilespmem:s23+$0xFAE0];
	v45 =	vadd.f32 v8, v6  }
0x1d8: {  	v49 =	vld [tilespmem:s23+$0xFB20];
	v3 =	vadd.f32 v11, v3  }
0x1d9: {  	v52 =	vld [tilespmem:s23+$0xFB60];
	v7 =	vadd.f32 v9, v7;
	v4 =	vadd.f32 v45, v4  }
0x1da: {  	v54 =	vld [tilespmem:s23+$0xFBA0];
	v47 =	vadd.f32 v15, v14;
	v48 =	vadd.f32 v17, v16  }
0x1db: {  	v56 =	vld [tilespmem:s23+$0xFBE0];
	v50 =	vadd.f32 v19, v18;
	v51 =	vadd.f32 v21, v20  }
0x1dc: {  	v53 =	vadd.f32 v13, v10;
	v57 =	vadd.f32 v23, v22  }
0x1dd: {  	v58 =	vadd.f32 v25, v24;
	v59 =	vadd.f32 v27, v26  }
0x1de: {  	v60 =	vadd.f32 v29, v28;
	v12 =	vadd.f32 v30, v43  }
0x1df: {  	v6 =	vadd.f32 v46, v44;
	v61 =	vadd.f32 v52, v49  }
0x1e0: {  	v10 =	vadd.f32 v56, v54;
	v8 =	vadd.f32 v48, v47  }
0x1e1: {  	v55 =	vadd.f32 v51, v50;
	v5 =	vadd.f32 v58, v57  }
0x1e2: {  	v62 =	vadd.f32 v60, v59;
	v6 =	vadd.f32 v6, v12  }
0x1e3: {  	v10 =	vadd.f32 v10, v61;
	v8 =	vadd.f32 v55, v8  }
0x1e4: {  	v7 =	vadd.f32 v53, v7;
	v5 =	vadd.f32 v62, v5  }
0x1e5: {  	v6 =	vadd.f32 v10, v6;
	v1 =	vadd.f32 v8, v1  }
0x1e6: {  	v4 =	vadd.f32 v7, v4;
	v2 =	vadd.f32 v5, v2  }
0x1e7: {  	v3 =	vadd.f32 v6, v3;
	v1 =	vmul.f32 $4.999999890e-03, v1  }
.Ltmp6:
0x1e8: {  	v0 =	vadd.f32 v4, v0;
	v2 =	vmul.f32 $4.999999890e-03, v2;
	(pc) =	sbr.rel @p0 .LBB2_12-.Ltmp6, $4  }
0x1e9: {  	v63 =	vmul.f32 $4.999999890e-03, v3;
	[tilespmem:s22+$0x12CC0] =	vst v1  }
0x1ea: {  	v0 =	vmul.f32 $4.999999890e-03, v0;
	[tilespmem:s22+$0x12CD0] =	vst v2  }
0x1eb: {  	[tilespmem:s22+$0x12CE0] =	vst v63  }
0x1ec: {  	[tilespmem:s22+$0x12CF0] =	vst v0  }
0x1ed: {  	s22 =	smul.u32 $0xC80, s21  }
.Ltmp7:
0x1ee: {  	_ = 	snop;
	(pc) =	sbr.rel .LBB2_2-.Ltmp7, $4  }
0x1ef: {  	_ = 	snop  }
0x1f0: {  	s22 =	sshra.s32 s22, $0x2  }
0x1f1: {  	s21 =	sadd.s32 $0x1, s21;
	s22 =	sadd.s32 $0x578, s22  }
0x1f2: {  	[tilespmem:s14], [sflag:$0x4] =	stream.indirect.gather [hbm4b:s3+s8], $0x40, s22, s8, $0xb8;
	[tilespmem:$0x14C00] =	vst v63  }
.LBB2_13:
0x1f3: {  	_ =	sfence.sel $0x180000  }
0x1f4: {  	[bflag:$0x0] =	sbarrier.arrive $0xFFFF  }
0x1f5: {  	p0 =	sne.s32 s1, $0x0;
	_ =	strace $0x90000047  }
0x1f6: {  	s0 =	sadd.s32 @!p0 $0x100000, s0;
	[bflag:$0x2] =	sbarrier.arrive $0xFFFF  }
0x1f7: {  	[sflag:s0] =	ssyncadd.tile.s32 @!p0 $0x1;
	_ =	shalt  }
.Lfunc_end2:
_tile_overlayer_lowered:
.L_overlay_start_2:
0x1f8: {  	(tag) =	ssettag $0x2  }
0x1f9: {  	s0 =	rddreg [dreg:$0x0];
	s2 =	stileid.u32  }
0x1fa: {  	s1 =	rddreg [dreg:$0x1];
	p0 =	sne.s32 s2, $0x0  }
0x1fb: {  	s3 =	rddreg [dreg:$0x2];
	[bflag:$0x3] =	sbarrier.arrive $0xFFFF;
	s2 =	simm.s32 @!p0 $0x1C05  }
0x1fc: {  	[timem:s3], [sflag:s2] =	dma.local @!p0 [hbm:s0], s1  }
0x1fd: {  	s0 =	simm.s32 @!p0 $0x5  }
0x1fe: {  	_ =	swait.ge @!p0 [sflag:s0], s1  }
0x1ff: {  	s1 =	ssub.s32 @!p0 $0x0, s1;
	[sflag:s0] =	ssyncset.done @!p0 $0x0  }
0x200: {  	[sflag:s0] =	ssyncadd.s32 @!p0 s1  }
0x201: {  	[bflag:$0x3] =	sbarrier.arrive $0xFFFF  }
0x202: {  	_ =	shalt  }

</sc_bundles>
